<compile_context>
chip_gen: v7x
topology: tpu7x:2x2x1
jax: 0.10.2.dev20260603
libtpu: 0.0.44.dev20260713+nightly
codegen_flags: <defaults>
</compile_context>

<pallas_src>
import dataclasses
import functools

import jax
import jax.numpy as jnp
from jax import lax
from jax.experimental import pallas as pl
from jax.experimental.pallas import tpu as pltpu
from jax.experimental.pallas import tpu_sc as plsc

R = 128
C = 32768
L = 16
NC = 2
NS = 16
NW = NC * NS

R_SC = 64
R_TC = R - R_SC
RPW = R_SC // NW
ZPW = R_TC // NW

SC_BLK = 16
SC_NBLK = C // (SC_BLK * L)
PIECES = 1
PIECE = C // PIECES
BLK_PER_PIECE = SC_NBLK // PIECES

TC_BLK = 4096
TC_NBLK = C // TC_BLK
TC_TILES = TC_BLK // 128
BIG = 1 << 30


def _sc_piece_scan(buf, q, carry):

    @plsc.parallel_loop(
        q * BLK_PER_PIECE, (q + 1) * BLK_PER_PIECE, step=1, unroll=2, carry=carry
    )
    def carry_out(t, c):
        m, blk = c
        base = t * (SC_BLK * L)
        vs = [buf[pl.ds(base + j * L, L)] for j in range(SC_BLK)]
        while len(vs) > 1:
            vs = [jnp.maximum(vs[i], vs[i + 1]) for i in range(0, len(vs), 2)]
        bm = vs[0]
        changed = bm > m
        m = jnp.maximum(m, bm)
        blk = jnp.where(changed, t, blk)
        return m, blk

    return carry_out


def _sc_row_resolve(buf, lane, m, blk):
    base_idx = blk * (SC_BLK * L) + lane
    j_in_blk = jnp.zeros((L,), dtype=jnp.int32)
    for j in range(SC_BLK - 1, -1, -1):
        v = plsc.load_gather(buf, [base_idx + j * L])
        j_in_blk = jnp.where(v == m, j, j_in_blk)
    elem_idx = base_idx + j_in_blk * L

    best = jnp.max(m)
    cand = jnp.where(m == best, elem_idx, BIG)
    return jnp.min(cand)


def _sc_argmax(logits):
    mesh = plsc.VectorSubcoreMesh(
        core_axis_name="c", subcore_axis_name="s", num_cores=NC, num_subcores=NS
    )
    cp = pltpu.CompilerParams()
    if "needs_layout_passes" in pltpu.CompilerParams.__dataclass_fields__:
        cp = dataclasses.replace(cp, needs_layout_passes=False)

    @functools.partial(
        pl.kernel,
        out_type=jax.ShapeDtypeStruct((R, L), jnp.int32),
        mesh=mesh,
        compiler_params=cp,
        scratch_types=[
            pltpu.VMEM((C,), jnp.float32),
            pltpu.VMEM((C,), jnp.float32),
            pltpu.VMEM((L,), jnp.int32),
            pltpu.VMEM((RPW, L), jnp.int32),
            pltpu.SemaphoreType.DMA,
            pltpu.SemaphoreType.DMA,
            pltpu.SemaphoreType.DMA,
        ],
    )
    def k(x_hbm, out_hbm, buf_a, buf_b, zero_v, res_v, sem_a, sem_b, sem_w):
        wid = lax.axis_index("s") * NC + lax.axis_index("c")
        row0 = wid * RPW
        bufs = (buf_a, buf_b)
        sems = (sem_a, sem_b)
        lane = lax.iota(jnp.int32, L)

        def start_piece(g):
            r, q = divmod(g, PIECES)
            return pltpu.async_copy(
                x_hbm.at[row0 + r, pl.ds(q * PIECE, PIECE)],
                bufs[r % 2].at[pl.ds(q * PIECE, PIECE)],
                sems[r % 2],
            )

        AHEAD = 2
        total = RPW * PIECES
        copies = [start_piece(g) for g in range(min(AHEAD, total))]
        zero_v[...] = jnp.zeros((L,), dtype=jnp.int32)
        writes = [
            pltpu.async_copy(zero_v, out_hbm.at[R_SC + wid * ZPW + z], sem_w)
            for z in range(ZPW)
        ]

        for r in range(RPW):
            carry = (
                jnp.full((L,), -jnp.inf, dtype=jnp.float32),
                jnp.zeros((L,), dtype=jnp.int32),
            )
            for q in range(PIECES):
                g = r * PIECES + q
                copies[g].wait()
                if g + AHEAD < total:
                    copies.append(start_piece(g + AHEAD))
                carry = _sc_piece_scan(bufs[r % 2], q, carry)
            best_idx = _sc_row_resolve(bufs[r % 2], lane, *carry)
            res_v[r, ...] = jnp.where(lane == 0, best_idx, 0)
            writes.append(
                pltpu.async_copy(res_v.at[r], out_hbm.at[row0 + r], sem_w)
            )
        for w in writes:
            w.wait()

    return k(logits)


def _tc_argmax(x):

    def body(x_ref, i_ref, m_a, i_a, m_b, i_b):
        k = pl.program_id(0)

        @pl.when(k == 0)
        def _():
            m_a[...] = jnp.full((R_TC, 128), -jnp.inf, dtype=jnp.float32)
            i_a[...] = jnp.zeros((R_TC, 128), dtype=jnp.int32)
            m_b[...] = jnp.full((R_TC, 128), -jnp.inf, dtype=jnp.float32)
            i_b[...] = jnp.zeros((R_TC, 128), dtype=jnp.int32)

        ma, ia = m_a[...], i_a[...]
        mb, ib = m_b[...], i_b[...]
        for t in range(TC_TILES):
            tile = x_ref[:, t * 128:(t + 1) * 128]
            c = k * TC_TILES + t
            if t % 2 == 0:
                changed = tile > ma
                ma = jnp.maximum(ma, tile)
                ia = jnp.where(changed, c, ia)
            else:
                changed = tile > mb
                mb = jnp.maximum(mb, tile)
                ib = jnp.where(changed, c, ib)
        m_a[...], i_a[...] = ma, ia
        m_b[...], i_b[...] = mb, ib

        @pl.when(k == TC_NBLK - 1)
        def _():
            take_b = (mb > ma) | ((mb == ma) & (ib < ia))
            m = jnp.where(take_b, mb, ma)
            idx = jnp.where(take_b, ib, ia)
            lane = lax.broadcasted_iota(jnp.int32, (R_TC, 128), 1)
            gidx = idx * 128 + lane
            best = jnp.max(m, axis=1, keepdims=True)
            cand = jnp.where(m == best, gidx, BIG)
            res = jnp.min(cand, axis=1, keepdims=True)
            i_ref[...] = jnp.concatenate(
                [jnp.zeros((R_SC, 1), dtype=jnp.int32), res], axis=0
            )

    i = pl.pallas_call(
        body,
        grid=(TC_NBLK,),
        in_specs=[pl.BlockSpec((R_TC, TC_BLK), lambda k: (1, k))],
        out_specs=pl.BlockSpec((R, 1), lambda k: (0, 0)),
        out_shape=jax.ShapeDtypeStruct((R, 1), jnp.int32),
        scratch_shapes=[
            pltpu.VMEM((R_TC, 128), jnp.float32),
            pltpu.VMEM((R_TC, 128), jnp.int32),
            pltpu.VMEM((R_TC, 128), jnp.float32),
            pltpu.VMEM((R_TC, 128), jnp.int32),
        ],
    )(x)
    return i


def kernel(logits):
    staging = _sc_argmax(logits)
    tc_idx = _tc_argmax(logits)
    return staging[:, 0] + tc_idx[:, 0]

# --- scband reference (transcript-rebuilt; emitter-appended) ---
"""Pipeline reference for scband-top-action-from-logits-36103495090344 (READ-ONLY COPY).

The authoritative reference and input builder live on the scoring server;
editing this copy changes nothing except your own understanding.
"""

import jax, jax.numpy as jnp
import numpy as np

def setup_inputs(seed: int = 0) -> dict:
    key = jax.random.key(seed)
    logits = jax.random.normal(key, (128, 32768), dtype=jnp.float32)
    return {"logits": logits}

def reference(logits):
    # Faithful translation of tf.argmax(logits, 1)
    return jnp.argmax(logits, axis=1)

if __name__ == "__main__":
    import jax
    _d = setup_inputs()
    print(jax.jit(kernel)(*tuple(_d.values())))

</pallas_src>

<mosaic_0001>
#map = affine_map<(d0, d1) -> (0, 0)>
module attributes {stable_mosaic.version = 14 : i64} {
  func.func @k(%arg0: i32, %arg1: i32, %arg2: memref<128x32768xf32, #tpu.memory_space<hbm>>, %arg3: memref<128x16xi32, #tpu.memory_space<hbm>>, %arg4: memref<32768xf32, #tpu.memory_space<vmem>>, %arg5: memref<32768xf32, #tpu.memory_space<vmem>>, %arg6: memref<16xi32, #tpu.memory_space<vmem>>, %arg7: memref<2x16xi32, #tpu.memory_space<vmem>>, %arg8: memref<!tpu.dma_semaphore, #tpu.memory_space<semaphore_mem>>, %arg9: memref<!tpu.dma_semaphore, #tpu.memory_space<semaphore_mem>>, %arg10: memref<!tpu.dma_semaphore, #tpu.memory_space<semaphore_mem>>) attributes {dimension_semantics = [#tpu.dimension_semantics<core_parallel>, #tpu.dimension_semantics<subcore_parallel>], iteration_bounds = array<i64: 2, 16>, scalar_prefetch = 0 : i64, scratch_operands = 7 : i64, tpu.core_type = #tpu.core_type<sc_vector_subcore>, window_params = [{transform_indices = #map}, {transform_indices = #map}]} {
    %mul3A = arith.constant 2 : i32
    %mul3A_0 = arith.muli %arg1, %mul3A : i32
    %add3A = arith.addi %mul3A_0, %arg0 : i32
    %mul3A_1 = arith.constant 2 : i32
    %mul3A_2 = arith.muli %add3A, %mul3A_1 : i32
    %iota3A = tpu.iota {dimensions = array<i32: 0>} : vector<16xi32>
    %add3A_3 = arith.constant 0 : i32
    %add3A_4 = arith.addi %mul3A_2, %add3A_3 : i32
    %dma_start3A = arith.constant 0 : i32
    %dma_start3A_5 = tpu.memref_slice %arg4[%dma_start3A] : memref<32768xf32, #tpu.memory_space<vmem>> -> memref<32768xf32, #tpu.memory_space<vmem>>
    %dma_start3A_6 = arith.constant 0 : i32
    %dma_start3A_7 = tpu.memref_slice %arg2[%add3A_4, %dma_start3A_6] : memref<128x32768xf32, #tpu.memory_space<hbm>> -> memref<1x32768xf32, #tpu.memory_space<hbm>>
    %dma_start3A_8 = tpu.memref_squeeze %dma_start3A_7 : memref<1x32768xf32, #tpu.memory_space<hbm>> -> memref<32768xf32, #tpu.memory_space<hbm>>
    %dma_start3A_9 = arith.constant 0 : i32
    %dma_start3A_10 = tpu.memref_slice %arg4[%dma_start3A_9] : memref<32768xf32, #tpu.memory_space<vmem>> -> memref<32768xf32, #tpu.memory_space<vmem>>
    %dma_start3A_11 = arith.constant 0 : i32
    %dma_start3A_12 = tpu.memref_slice %arg2[%add3A_4, %dma_start3A_11] : memref<128x32768xf32, #tpu.memory_space<hbm>> -> memref<1x32768xf32, #tpu.memory_space<hbm>>
    %dma_start3A_13 = tpu.memref_squeeze %dma_start3A_12 : memref<1x32768xf32, #tpu.memory_space<hbm>> -> memref<32768xf32, #tpu.memory_space<hbm>>
    tpu.enqueue_dma source(%dma_start3A_13 : memref<32768xf32, #tpu.memory_space<hbm>>) target(%dma_start3A_10 : memref<32768xf32, #tpu.memory_space<vmem>>) target_semaphore(%arg8 : memref<!tpu.dma_semaphore, #tpu.memory_space<semaphore_mem>>)
    %add3A_14 = arith.constant 1 : i32
    %add3A_15 = arith.addi %mul3A_2, %add3A_14 : i32
    %dma_start3A_16 = arith.constant 0 : i32
    %dma_start3A_17 = tpu.memref_slice %arg5[%dma_start3A_16] : memref<32768xf32, #tpu.memory_space<vmem>> -> memref<32768xf32, #tpu.memory_space<vmem>>
    %dma_start3A_18 = arith.constant 0 : i32
    %dma_start3A_19 = tpu.memref_slice %arg2[%add3A_15, %dma_start3A_18] : memref<128x32768xf32, #tpu.memory_space<hbm>> -> memref<1x32768xf32, #tpu.memory_space<hbm>>
    %dma_start3A_20 = tpu.memref_squeeze %dma_start3A_19 : memref<1x32768xf32, #tpu.memory_space<hbm>> -> memref<32768xf32, #tpu.memory_space<hbm>>
    %dma_start3A_21 = arith.constant 0 : i32
    %dma_start3A_22 = tpu.memref_slice %arg5[%dma_start3A_21] : memref<32768xf32, #tpu.memory_space<vmem>> -> memref<32768xf32, #tpu.memory_space<vmem>>
    %dma_start3A_23 = arith.constant 0 : i32
    %dma_start3A_24 = tpu.memref_slice %arg2[%add3A_15, %dma_start3A_23] : memref<128x32768xf32, #tpu.memory_space<hbm>> -> memref<1x32768xf32, #tpu.memory_space<hbm>>
    %dma_start3A_25 = tpu.memref_squeeze %dma_start3A_24 : memref<1x32768xf32, #tpu.memory_space<hbm>> -> memref<32768xf32, #tpu.memory_space<hbm>>
    tpu.enqueue_dma source(%dma_start3A_25 : memref<32768xf32, #tpu.memory_space<hbm>>) target(%dma_start3A_22 : memref<32768xf32, #tpu.memory_space<vmem>>) target_semaphore(%arg9 : memref<!tpu.dma_semaphore, #tpu.memory_space<semaphore_mem>>)
    %broadcast_in_dim3A = arith.constant 0 : i32
    %broadcast_in_dim3A_26 = vector.broadcast %broadcast_in_dim3A : i32 to vector<16xi32>
    %swap3A = arith.constant 0 : index
    %swap3A_27 = tpu.vector_load %arg6[%swap3A] {strides = array<i32>} : memref<16xi32, #tpu.memory_space<vmem>>, vector<16xi32>,
    tpu.vector_store %arg6[%swap3A], %broadcast_in_dim3A_26 {strides = array<i32>} : memref<16xi32, #tpu.memory_space<vmem>>, vector<16xi32>,
    %mul3A_28 = arith.constant 2 : i32
    %mul3A_29 = arith.muli %add3A, %mul3A_28 : i32
    %add3A_30 = arith.constant 64 : i32
    %add3A_31 = arith.addi %add3A_30, %mul3A_29 : i32
    %add3A_32 = arith.constant 0 : i32
    %add3A_33 = arith.addi %add3A_31, %add3A_32 : i32
    %dma_start3A_34 = arith.constant 0 : i32
    %dma_start3A_35 = tpu.memref_slice %arg3[%add3A_33, %dma_start3A_34] : memref<128x16xi32, #tpu.memory_space<hbm>> -> memref<1x16xi32, #tpu.memory_space<hbm>>
    %dma_start3A_36 = tpu.memref_squeeze %dma_start3A_35 : memref<1x16xi32, #tpu.memory_space<hbm>> -> memref<16xi32, #tpu.memory_space<hbm>>
    %dma_start3A_37 = arith.constant 0 : i32
    %dma_start3A_38 = tpu.memref_slice %arg3[%add3A_33, %dma_start3A_37] : memref<128x16xi32, #tpu.memory_space<hbm>> -> memref<1x16xi32, #tpu.memory_space<hbm>>
    %dma_start3A_39 = tpu.memref_squeeze %dma_start3A_38 : memref<1x16xi32, #tpu.memory_space<hbm>> -> memref<16xi32, #tpu.memory_space<hbm>>
    tpu.enqueue_dma source(%arg6 : memref<16xi32, #tpu.memory_space<vmem>>) target(%dma_start3A_39 : memref<16xi32, #tpu.memory_space<hbm>>) target_semaphore(%arg10 : memref<!tpu.dma_semaphore, #tpu.memory_space<semaphore_mem>>)
    %mul3A_40 = arith.constant 2 : i32
    %mul3A_41 = arith.muli %add3A, %mul3A_40 : i32
    %add3A_42 = arith.constant 64 : i32
    %add3A_43 = arith.addi %add3A_42, %mul3A_41 : i32
    %add3A_44 = arith.constant 1 : i32
    %add3A_45 = arith.addi %add3A_43, %add3A_44 : i32
    %dma_start3A_46 = arith.constant 0 : i32
    %dma_start3A_47 = tpu.memref_slice %arg3[%add3A_45, %dma_start3A_46] : memref<128x16xi32, #tpu.memory_space<hbm>> -> memref<1x16xi32, #tpu.memory_space<hbm>>
    %dma_start3A_48 = tpu.memref_squeeze %dma_start3A_47 : memref<1x16xi32, #tpu.memory_space<hbm>> -> memref<16xi32, #tpu.memory_space<hbm>>
    %dma_start3A_49 = arith.constant 0 : i32
    %dma_start3A_50 = tpu.memref_slice %arg3[%add3A_45, %dma_start3A_49] : memref<128x16xi32, #tpu.memory_space<hbm>> -> memref<1x16xi32, #tpu.memory_space<hbm>>
    %dma_start3A_51 = tpu.memref_squeeze %dma_start3A_50 : memref<1x16xi32, #tpu.memory_space<hbm>> -> memref<16xi32, #tpu.memory_space<hbm>>
    tpu.enqueue_dma source(%arg6 : memref<16xi32, #tpu.memory_space<vmem>>) target(%dma_start3A_51 : memref<16xi32, #tpu.memory_space<hbm>>) target_semaphore(%arg10 : memref<!tpu.dma_semaphore, #tpu.memory_space<semaphore_mem>>)
    %broadcast_in_dim3A_52 = arith.constant 0xFF800000 : f32
    %broadcast_in_dim3A_53 = vector.broadcast %broadcast_in_dim3A_52 : f32 to vector<16xf32>
    %broadcast_in_dim3A_54 = arith.constant 0 : i32
    %broadcast_in_dim3A_55 = vector.broadcast %broadcast_in_dim3A_54 : i32 to vector<16xi32>
    %dma_wait3A = arith.constant 0 : i32
    %dma_wait3A_56 = tpu.memref_slice %arg4[%dma_wait3A] : memref<32768xf32, #tpu.memory_space<vmem>> -> memref<32768xf32, #tpu.memory_space<vmem>>
    %dma_wait3A_57 = arith.constant 0 : i32
    %dma_wait3A_58 = tpu.memref_slice %arg2[%add3A_4, %dma_wait3A_57] : memref<128x32768xf32, #tpu.memory_space<hbm>> -> memref<1x32768xf32, #tpu.memory_space<hbm>>
    %dma_wait3A_59 = tpu.memref_squeeze %dma_wait3A_58 : memref<1x32768xf32, #tpu.memory_space<hbm>> -> memref<32768xf32, #tpu.memory_space<hbm>>
    %dma_wait3A_60 = arith.constant 0 : i32
    %dma_wait3A_61 = tpu.memref_slice %arg4[%dma_wait3A_60] : memref<32768xf32, #tpu.memory_space<vmem>> -> memref<32768xf32, #tpu.memory_space<vmem>>
    %dma_wait3A_62 = arith.constant 0 : i32
    %dma_wait3A_63 = tpu.memref_slice %arg2[%add3A_4, %dma_wait3A_62] : memref<128x32768xf32, #tpu.memory_space<hbm>> -> memref<1x32768xf32, #tpu.memory_space<hbm>>
    %dma_wait3A_64 = tpu.memref_squeeze %dma_wait3A_63 : memref<1x32768xf32, #tpu.memory_space<hbm>> -> memref<32768xf32, #tpu.memory_space<hbm>>
    tpu.wait_dma2 semaphore(%arg8 : memref<!tpu.dma_semaphore, #tpu.memory_space<semaphore_mem>>) src(%dma_wait3A_64 : memref<32768xf32, #tpu.memory_space<hbm>>) dst(%dma_wait3A_61 : memref<32768xf32, #tpu.memory_space<vmem>>)
    %parallel_loop3A = arith.constant 0 : i32
    %parallel_loop3A_65 = arith.constant 128 : i32
    %parallel_loop3A_66 = arith.constant 1 : i32
    %parallel_loop3A_67:2 = scf.for %parallel_loop3A_480 = %parallel_loop3A to %parallel_loop3A_65 step %parallel_loop3A_66 iter_args(%parallel_loop3A_481 = %broadcast_in_dim3A_53, %parallel_loop3A_482 = %broadcast_in_dim3A_55) -> (vector<16xf32>, vector<16xi32>)  : i32 {
      %parallel_loop3A_483 = arith.constant 256 : i32
      %parallel_loop3A_484 = arith.muli %parallel_loop3A_480, %parallel_loop3A_483 : i32
      %parallel_loop3A_485 = arith.constant 0 : i32
      %parallel_loop3A_486 = arith.addi %parallel_loop3A_484, %parallel_loop3A_485 : i32
      %parallel_loop3A_487 = arith.index_cast %parallel_loop3A_486 : i32 to index
      %parallel_loop3A_488 = tpu.vector_load %arg4[%parallel_loop3A_487] {strides = array<i32>} : memref<32768xf32, #tpu.memory_space<vmem>>, vector<16xf32>,
      %parallel_loop3A_489 = arith.constant 16 : i32
      %parallel_loop3A_490 = arith.addi %parallel_loop3A_484, %parallel_loop3A_489 : i32
      %parallel_loop3A_491 = arith.index_cast %parallel_loop3A_490 : i32 to index
      %parallel_loop3A_492 = tpu.vector_load %arg4[%parallel_loop3A_491] {strides = array<i32>} : memref<32768xf32, #tpu.memory_space<vmem>>, vector<16xf32>,
      %parallel_loop3A_493 = arith.constant 32 : i32
      %parallel_loop3A_494 = arith.addi %parallel_loop3A_484, %parallel_loop3A_493 : i32
      %parallel_loop3A_495 = arith.index_cast %parallel_loop3A_494 : i32 to index
      %parallel_loop3A_496 = tpu.vector_load %arg4[%parallel_loop3A_495] {strides = array<i32>} : memref<32768xf32, #tpu.memory_space<vmem>>, vector<16xf32>,
      %parallel_loop3A_497 = arith.constant 48 : i32
      %parallel_loop3A_498 = arith.addi %parallel_loop3A_484, %parallel_loop3A_497 : i32
      %parallel_loop3A_499 = arith.index_cast %parallel_loop3A_498 : i32 to index
      %parallel_loop3A_500 = tpu.vector_load %arg4[%parallel_loop3A_499] {strides = array<i32>} : memref<32768xf32, #tpu.memory_space<vmem>>, vector<16xf32>,
      %parallel_loop3A_501 = arith.constant 64 : i32
      %parallel_loop3A_502 = arith.addi %parallel_loop3A_484, %parallel_loop3A_501 : i32
      %parallel_loop3A_503 = arith.index_cast %parallel_loop3A_502 : i32 to index
      %parallel_loop3A_504 = tpu.vector_load %arg4[%parallel_loop3A_503] {strides = array<i32>} : memref<32768xf32, #tpu.memory_space<vmem>>, vector<16xf32>,
      %parallel_loop3A_505 = arith.constant 80 : i32
      %parallel_loop3A_506 = arith.addi %parallel_loop3A_484, %parallel_loop3A_505 : i32
      %parallel_loop3A_507 = arith.index_cast %parallel_loop3A_506 : i32 to index
      %parallel_loop3A_508 = tpu.vector_load %arg4[%parallel_loop3A_507] {strides = array<i32>} : memref<32768xf32, #tpu.memory_space<vmem>>, vector<16xf32>,
      %parallel_loop3A_509 = arith.constant 96 : i32
      %parallel_loop3A_510 = arith.addi %parallel_loop3A_484, %parallel_loop3A_509 : i32
      %parallel_loop3A_511 = arith.index_cast %parallel_loop3A_510 : i32 to index
      %parallel_loop3A_512 = tpu.vector_load %arg4[%parallel_loop3A_511] {strides = array<i32>} : memref<32768xf32, #tpu.memory_space<vmem>>, vector<16xf32>,
      %parallel_loop3A_513 = arith.constant 112 : i32
      %parallel_loop3A_514 = arith.addi %parallel_loop3A_484, %parallel_loop3A_513 : i32
      %parallel_loop3A_515 = arith.index_cast %parallel_loop3A_514 : i32 to index
      %parallel_loop3A_516 = tpu.vector_load %arg4[%parallel_loop3A_515] {strides = array<i32>} : memref<32768xf32, #tpu.memory_space<vmem>>, vector<16xf32>,
      %parallel_loop3A_517 = arith.constant 128 : i32
      %parallel_loop3A_518 = arith.addi %parallel_loop3A_484, %parallel_loop3A_517 : i32
      %parallel_loop3A_519 = arith.index_cast %parallel_loop3A_518 : i32 to index
      %parallel_loop3A_520 = tpu.vector_load %arg4[%parallel_loop3A_519] {strides = array<i32>} : memref<32768xf32, #tpu.memory_space<vmem>>, vector<16xf32>,
      %parallel_loop3A_521 = arith.constant 144 : i32
      %parallel_loop3A_522 = arith.addi %parallel_loop3A_484, %parallel_loop3A_521 : i32
      %parallel_loop3A_523 = arith.index_cast %parallel_loop3A_522 : i32 to index
      %parallel_loop3A_524 = tpu.vector_load %arg4[%parallel_loop3A_523] {strides = array<i32>} : memref<32768xf32, #tpu.memory_space<vmem>>, vector<16xf32>,
      %parallel_loop3A_525 = arith.constant 160 : i32
      %parallel_loop3A_526 = arith.addi %parallel_loop3A_484, %parallel_loop3A_525 : i32
      %parallel_loop3A_527 = arith.index_cast %parallel_loop3A_526 : i32 to index
      %parallel_loop3A_528 = tpu.vector_load %arg4[%parallel_loop3A_527] {strides = array<i32>} : memref<32768xf32, #tpu.memory_space<vmem>>, vector<16xf32>,
      %parallel_loop3A_529 = arith.constant 176 : i32
      %parallel_loop3A_530 = arith.addi %parallel_loop3A_484, %parallel_loop3A_529 : i32
      %parallel_loop3A_531 = arith.index_cast %parallel_loop3A_530 : i32 to index
      %parallel_loop3A_532 = tpu.vector_load %arg4[%parallel_loop3A_531] {strides = array<i32>} : memref<32768xf32, #tpu.memory_space<vmem>>, vector<16xf32>,
      %parallel_loop3A_533 = arith.constant 192 : i32
      %parallel_loop3A_534 = arith.addi %parallel_loop3A_484, %parallel_loop3A_533 : i32
      %parallel_loop3A_535 = arith.index_cast %parallel_loop3A_534 : i32 to index
      %parallel_loop3A_536 = tpu.vector_load %arg4[%parallel_loop3A_535] {strides = array<i32>} : memref<32768xf32, #tpu.memory_space<vmem>>, vector<16xf32>,
      %parallel_loop3A_537 = arith.constant 208 : i32
      %parallel_loop3A_538 = arith.addi %parallel_loop3A_484, %parallel_loop3A_537 : i32
      %parallel_loop3A_539 = arith.index_cast %parallel_loop3A_538 : i32 to index
      %parallel_loop3A_540 = tpu.vector_load %arg4[%parallel_loop3A_539] {strides = array<i32>} : memref<32768xf32, #tpu.memory_space<vmem>>, vector<16xf32>,
      %parallel_loop3A_541 = arith.constant 224 : i32
      %parallel_loop3A_542 = arith.addi %parallel_loop3A_484, %parallel_loop3A_541 : i32
      %parallel_loop3A_543 = arith.index_cast %parallel_loop3A_542 : i32 to index
      %parallel_loop3A_544 = tpu.vector_load %arg4[%parallel_loop3A_543] {strides = array<i32>} : memref<32768xf32, #tpu.memory_space<vmem>>, vector<16xf32>,
      %parallel_loop3A_545 = arith.constant 240 : i32
      %parallel_loop3A_546 = arith.addi %parallel_loop3A_484, %parallel_loop3A_545 : i32
      %parallel_loop3A_547 = arith.index_cast %parallel_loop3A_546 : i32 to index
      %parallel_loop3A_548 = tpu.vector_load %arg4[%parallel_loop3A_547] {strides = array<i32>} : memref<32768xf32, #tpu.memory_space<vmem>>, vector<16xf32>,
      %parallel_loop3A_549 = arith.maximumf %parallel_loop3A_488, %parallel_loop3A_492 : vector<16xf32>
      %parallel_loop3A_550 = arith.maximumf %parallel_loop3A_496, %parallel_loop3A_500 : vector<16xf32>
      %parallel_loop3A_551 = arith.maximumf %parallel_loop3A_504, %parallel_loop3A_508 : vector<16xf32>
      %parallel_loop3A_552 = arith.maximumf %parallel_loop3A_512, %parallel_loop3A_516 : vector<16xf32>
      %parallel_loop3A_553 = arith.maximumf %parallel_loop3A_520, %parallel_loop3A_524 : vector<16xf32>
      %parallel_loop3A_554 = arith.maximumf %parallel_loop3A_528, %parallel_loop3A_532 : vector<16xf32>
      %parallel_loop3A_555 = arith.maximumf %parallel_loop3A_536, %parallel_loop3A_540 : vector<16xf32>
      %parallel_loop3A_556 = arith.maximumf %parallel_loop3A_544, %parallel_loop3A_548 : vector<16xf32>
      %parallel_loop3A_557 = arith.maximumf %parallel_loop3A_549, %parallel_loop3A_550 : vector<16xf32>
      %parallel_loop3A_558 = arith.maximumf %parallel_loop3A_551, %parallel_loop3A_552 : vector<16xf32>
      %parallel_loop3A_559 = arith.maximumf %parallel_loop3A_553, %parallel_loop3A_554 : vector<16xf32>
      %parallel_loop3A_560 = arith.maximumf %parallel_loop3A_555, %parallel_loop3A_556 : vector<16xf32>
      %parallel_loop3A_561 = arith.maximumf %parallel_loop3A_557, %parallel_loop3A_558 : vector<16xf32>
      %parallel_loop3A_562 = arith.maximumf %parallel_loop3A_559, %parallel_loop3A_560 : vector<16xf32>
      %parallel_loop3A_563 = arith.maximumf %parallel_loop3A_561, %parallel_loop3A_562 : vector<16xf32>
      %parallel_loop3A_564 = arith.cmpf ogt, %parallel_loop3A_563, %parallel_loop3A_481 : vector<16xf32>
      %parallel_loop3A_565 = arith.maximumf %parallel_loop3A_481, %parallel_loop3A_563 : vector<16xf32>
      %parallel_loop3A_566 = vector.broadcast %parallel_loop3A_480 : i32 to vector<16xi32>
      %parallel_loop3A_567 = arith.select %parallel_loop3A_564, %parallel_loop3A_566, %parallel_loop3A_482 : vector<16xi1>, vector<16xi32>
      scf.yield %parallel_loop3A_565, %parallel_loop3A_567 : vector<16xf32>, vector<16xi32>
    } {sc.loop_unroll_factor = 2 : i64, sc.parallel_access}
    %mul3A_68 = arith.constant 256 : i32
    %mul3A_69 = vector.broadcast %mul3A_68 : i32 to vector<16xi32>
    %mul3A_70 = arith.muli %parallel_loop3A_67#1, %mul3A_69 : vector<16xi32>
    %add3A_71 = arith.addi %mul3A_70, %iota3A : vector<16xi32>
    %broadcast_in_dim3A_72 = arith.constant 0 : i32
    %broadcast_in_dim3A_73 = vector.broadcast %broadcast_in_dim3A_72 : i32 to vector<16xi32>
    %add3A_74 = arith.constant 240 : i32
    %add3A_75 = vector.broadcast %add3A_74 : i32 to vector<16xi32>
    %add3A_76 = arith.addi %add3A_71, %add3A_75 : vector<16xi32>
    %gather3A = tpu.vector_load_idx %arg4[%add3A_76] : memref<32768xf32, #tpu.memory_space<vmem>>[vector<16xi32>], vector<16xf32>,
    %eq3A = arith.cmpf oeq, %gather3A, %parallel_loop3A_67#0 : vector<16xf32>
    %jit3A = arith.constant 15 : i32
    %broadcast_in_dim3A_77 = vector.broadcast %jit3A : i32 to vector<16xi32>
    %select_n3A = arith.select %eq3A, %broadcast_in_dim3A_77, %broadcast_in_dim3A_73 : vector<16xi1>, vector<16xi32>
    %add3A_78 = arith.constant 224 : i32
    %add3A_79 = vector.broadcast %add3A_78 : i32 to vector<16xi32>
    %add3A_80 = arith.addi %add3A_71, %add3A_79 : vector<16xi32>
    %gather3A_81 = tpu.vector_load_idx %arg4[%add3A_80] : memref<32768xf32, #tpu.memory_space<vmem>>[vector<16xi32>], vector<16xf32>,
    %eq3A_82 = arith.cmpf oeq, %gather3A_81, %parallel_loop3A_67#0 : vector<16xf32>
    %jit3A_83 = arith.constant 14 : i32
    %broadcast_in_dim3A_84 = vector.broadcast %jit3A_83 : i32 to vector<16xi32>
    %select_n3A_85 = arith.select %eq3A_82, %broadcast_in_dim3A_84, %select_n3A : vector<16xi1>, vector<16xi32>
    %add3A_86 = arith.constant 208 : i32
    %add3A_87 = vector.broadcast %add3A_86 : i32 to vector<16xi32>
    %add3A_88 = arith.addi %add3A_71, %add3A_87 : vector<16xi32>
    %gather3A_89 = tpu.vector_load_idx %arg4[%add3A_88] : memref<32768xf32, #tpu.memory_space<vmem>>[vector<16xi32>], vector<16xf32>,
    %eq3A_90 = arith.cmpf oeq, %gather3A_89, %parallel_loop3A_67#0 : vector<16xf32>
    %jit3A_91 = arith.constant 13 : i32
    %broadcast_in_dim3A_92 = vector.broadcast %jit3A_91 : i32 to vector<16xi32>
    %select_n3A_93 = arith.select %eq3A_90, %broadcast_in_dim3A_92, %select_n3A_85 : vector<16xi1>, vector<16xi32>
    %add3A_94 = arith.constant 192 : i32
    %add3A_95 = vector.broadcast %add3A_94 : i32 to vector<16xi32>
    %add3A_96 = arith.addi %add3A_71, %add3A_95 : vector<16xi32>
    %gather3A_97 = tpu.vector_load_idx %arg4[%add3A_96] : memref<32768xf32, #tpu.memory_space<vmem>>[vector<16xi32>], vector<16xf32>,
    %eq3A_98 = arith.cmpf oeq, %gather3A_97, %parallel_loop3A_67#0 : vector<16xf32>
    %jit3A_99 = arith.constant 12 : i32
    %broadcast_in_dim3A_100 = vector.broadcast %jit3A_99 : i32 to vector<16xi32>
    %select_n3A_101 = arith.select %eq3A_98, %broadcast_in_dim3A_100, %select_n3A_93 : vector<16xi1>, vector<16xi32>
    %add3A_102 = arith.constant 176 : i32
    %add3A_103 = vector.broadcast %add3A_102 : i32 to vector<16xi32>
    %add3A_104 = arith.addi %add3A_71, %add3A_103 : vector<16xi32>
    %gather3A_105 = tpu.vector_load_idx %arg4[%add3A_104] : memref<32768xf32, #tpu.memory_space<vmem>>[vector<16xi32>], vector<16xf32>,
    %eq3A_106 = arith.cmpf oeq, %gather3A_105, %parallel_loop3A_67#0 : vector<16xf32>
    %jit3A_107 = arith.constant 11 : i32
    %broadcast_in_dim3A_108 = vector.broadcast %jit3A_107 : i32 to vector<16xi32>
    %select_n3A_109 = arith.select %eq3A_106, %broadcast_in_dim3A_108, %select_n3A_101 : vector<16xi1>, vector<16xi32>
    %add3A_110 = arith.constant 160 : i32
    %add3A_111 = vector.broadcast %add3A_110 : i32 to vector<16xi32>
    %add3A_112 = arith.addi %add3A_71, %add3A_111 : vector<16xi32>
    %gather3A_113 = tpu.vector_load_idx %arg4[%add3A_112] : memref<32768xf32, #tpu.memory_space<vmem>>[vector<16xi32>], vector<16xf32>,
    %eq3A_114 = arith.cmpf oeq, %gather3A_113, %parallel_loop3A_67#0 : vector<16xf32>
    %jit3A_115 = arith.constant 10 : i32
    %broadcast_in_dim3A_116 = vector.broadcast %jit3A_115 : i32 to vector<16xi32>
    %select_n3A_117 = arith.select %eq3A_114, %broadcast_in_dim3A_116, %select_n3A_109 : vector<16xi1>, vector<16xi32>
    %add3A_118 = arith.constant 144 : i32
    %add3A_119 = vector.broadcast %add3A_118 : i32 to vector<16xi32>
    %add3A_120 = arith.addi %add3A_71, %add3A_119 : vector<16xi32>
    %gather3A_121 = tpu.vector_load_idx %arg4[%add3A_120] : memref<32768xf32, #tpu.memory_space<vmem>>[vector<16xi32>], vector<16xf32>,
    %eq3A_122 = arith.cmpf oeq, %gather3A_121, %parallel_loop3A_67#0 : vector<16xf32>
    %jit3A_123 = arith.constant 9 : i32
    %broadcast_in_dim3A_124 = vector.broadcast %jit3A_123 : i32 to vector<16xi32>
    %select_n3A_125 = arith.select %eq3A_122, %broadcast_in_dim3A_124, %select_n3A_117 : vector<16xi1>, vector<16xi32>
    %add3A_126 = arith.constant 128 : i32
    %add3A_127 = vector.broadcast %add3A_126 : i32 to vector<16xi32>
    %add3A_128 = arith.addi %add3A_71, %add3A_127 : vector<16xi32>
    %gather3A_129 = tpu.vector_load_idx %arg4[%add3A_128] : memref<32768xf32, #tpu.memory_space<vmem>>[vector<16xi32>], vector<16xf32>,
    %eq3A_130 = arith.cmpf oeq, %gather3A_129, %parallel_loop3A_67#0 : vector<16xf32>
    %jit3A_131 = arith.constant 8 : i32
    %broadcast_in_dim3A_132 = vector.broadcast %jit3A_131 : i32 to vector<16xi32>
    %select_n3A_133 = arith.select %eq3A_130, %broadcast_in_dim3A_132, %select_n3A_125 : vector<16xi1>, vector<16xi32>
    %add3A_134 = arith.constant 112 : i32
    %add3A_135 = vector.broadcast %add3A_134 : i32 to vector<16xi32>
    %add3A_136 = arith.addi %add3A_71, %add3A_135 : vector<16xi32>
    %gather3A_137 = tpu.vector_load_idx %arg4[%add3A_136] : memref<32768xf32, #tpu.memory_space<vmem>>[vector<16xi32>], vector<16xf32>,
    %eq3A_138 = arith.cmpf oeq, %gather3A_137, %parallel_loop3A_67#0 : vector<16xf32>
    %jit3A_139 = arith.constant 7 : i32
    %broadcast_in_dim3A_140 = vector.broadcast %jit3A_139 : i32 to vector<16xi32>
    %select_n3A_141 = arith.select %eq3A_138, %broadcast_in_dim3A_140, %select_n3A_133 : vector<16xi1>, vector<16xi32>
    %add3A_142 = arith.constant 96 : i32
    %add3A_143 = vector.broadcast %add3A_142 : i32 to vector<16xi32>
    %add3A_144 = arith.addi %add3A_71, %add3A_143 : vector<16xi32>
    %gather3A_145 = tpu.vector_load_idx %arg4[%add3A_144] : memref<32768xf32, #tpu.memory_space<vmem>>[vector<16xi32>], vector<16xf32>,
    %eq3A_146 = arith.cmpf oeq, %gather3A_145, %parallel_loop3A_67#0 : vector<16xf32>
    %jit3A_147 = arith.constant 6 : i32
    %broadcast_in_dim3A_148 = vector.broadcast %jit3A_147 : i32 to vector<16xi32>
    %select_n3A_149 = arith.select %eq3A_146, %broadcast_in_dim3A_148, %select_n3A_141 : vector<16xi1>, vector<16xi32>
    %add3A_150 = arith.constant 80 : i32
    %add3A_151 = vector.broadcast %add3A_150 : i32 to vector<16xi32>
    %add3A_152 = arith.addi %add3A_71, %add3A_151 : vector<16xi32>
    %gather3A_153 = tpu.vector_load_idx %arg4[%add3A_152] : memref<32768xf32, #tpu.memory_space<vmem>>[vector<16xi32>], vector<16xf32>,
    %eq3A_154 = arith.cmpf oeq, %gather3A_153, %parallel_loop3A_67#0 : vector<16xf32>
    %jit3A_155 = arith.constant 5 : i32
    %broadcast_in_dim3A_156 = vector.broadcast %jit3A_155 : i32 to vector<16xi32>
    %select_n3A_157 = arith.select %eq3A_154, %broadcast_in_dim3A_156, %select_n3A_149 : vector<16xi1>, vector<16xi32>
    %add3A_158 = arith.constant 64 : i32
    %add3A_159 = vector.broadcast %add3A_158 : i32 to vector<16xi32>
    %add3A_160 = arith.addi %add3A_71, %add3A_159 : vector<16xi32>
    %gather3A_161 = tpu.vector_load_idx %arg4[%add3A_160] : memref<32768xf32, #tpu.memory_space<vmem>>[vector<16xi32>], vector<16xf32>,
    %eq3A_162 = arith.cmpf oeq, %gather3A_161, %parallel_loop3A_67#0 : vector<16xf32>
    %jit3A_163 = arith.constant 4 : i32
    %broadcast_in_dim3A_164 = vector.broadcast %jit3A_163 : i32 to vector<16xi32>
    %select_n3A_165 = arith.select %eq3A_162, %broadcast_in_dim3A_164, %select_n3A_157 : vector<16xi1>, vector<16xi32>
    %add3A_166 = arith.constant 48 : i32
    %add3A_167 = vector.broadcast %add3A_166 : i32 to vector<16xi32>
    %add3A_168 = arith.addi %add3A_71, %add3A_167 : vector<16xi32>
    %gather3A_169 = tpu.vector_load_idx %arg4[%add3A_168] : memref<32768xf32, #tpu.memory_space<vmem>>[vector<16xi32>], vector<16xf32>,
    %eq3A_170 = arith.cmpf oeq, %gather3A_169, %parallel_loop3A_67#0 : vector<16xf32>
    %jit3A_171 = arith.constant 3 : i32
    %broadcast_in_dim3A_172 = vector.broadcast %jit3A_171 : i32 to vector<16xi32>
    %select_n3A_173 = arith.select %eq3A_170, %broadcast_in_dim3A_172, %select_n3A_165 : vector<16xi1>, vector<16xi32>
    %add3A_174 = arith.constant 32 : i32
    %add3A_175 = vector.broadcast %add3A_174 : i32 to vector<16xi32>
    %add3A_176 = arith.addi %add3A_71, %add3A_175 : vector<16xi32>
    %gather3A_177 = tpu.vector_load_idx %arg4[%add3A_176] : memref<32768xf32, #tpu.memory_space<vmem>>[vector<16xi32>], vector<16xf32>,
    %eq3A_178 = arith.cmpf oeq, %gather3A_177, %parallel_loop3A_67#0 : vector<16xf32>
    %jit3A_179 = arith.constant 2 : i32
    %broadcast_in_dim3A_180 = vector.broadcast %jit3A_179 : i32 to vector<16xi32>
    %select_n3A_181 = arith.select %eq3A_178, %broadcast_in_dim3A_180, %select_n3A_173 : vector<16xi1>, vector<16xi32>
    %add3A_182 = arith.constant 16 : i32
    %add3A_183 = vector.broadcast %add3A_182 : i32 to vector<16xi32>
    %add3A_184 = arith.addi %add3A_71, %add3A_183 : vector<16xi32>
    %gather3A_185 = tpu.vector_load_idx %arg4[%add3A_184] : memref<32768xf32, #tpu.memory_space<vmem>>[vector<16xi32>], vector<16xf32>,
    %eq3A_186 = arith.cmpf oeq, %gather3A_185, %parallel_loop3A_67#0 : vector<16xf32>
    %jit3A_187 = arith.constant 1 : i32
    %broadcast_in_dim3A_188 = vector.broadcast %jit3A_187 : i32 to vector<16xi32>
    %select_n3A_189 = arith.select %eq3A_186, %broadcast_in_dim3A_188, %select_n3A_181 : vector<16xi1>, vector<16xi32>
    %add3A_190 = arith.constant 0 : i32
    %add3A_191 = vector.broadcast %add3A_190 : i32 to vector<16xi32>
    %add3A_192 = arith.addi %add3A_71, %add3A_191 : vector<16xi32>
    %gather3A_193 = tpu.vector_load_idx %arg4[%add3A_192] : memref<32768xf32, #tpu.memory_space<vmem>>[vector<16xi32>], vector<16xf32>,
    %eq3A_194 = arith.cmpf oeq, %gather3A_193, %parallel_loop3A_67#0 : vector<16xf32>
    %jit3A_195 = arith.constant 0 : i32
    %broadcast_in_dim3A_196 = vector.broadcast %jit3A_195 : i32 to vector<16xi32>
    %select_n3A_197 = arith.select %eq3A_194, %broadcast_in_dim3A_196, %select_n3A_189 : vector<16xi1>, vector<16xi32>
    %mul3A_198 = arith.constant 16 : i32
    %mul3A_199 = vector.broadcast %mul3A_198 : i32 to vector<16xi32>
    %mul3A_200 = arith.muli %select_n3A_197, %mul3A_199 : vector<16xi32>
    %add3A_201 = arith.addi %add3A_71, %mul3A_200 : vector<16xi32>
    %reduce_max3A = arith.constant true
    %reduce_max3A_202 = vector.broadcast %reduce_max3A : i1 to vector<16xi1>
    %reduce_max3A_203 = tpu.scan <max>, %parallel_loop3A_67#0 masked %reduce_max3A_202 : vector<16xf32>, vector<16xi1> -> vector<16xf32>
    %reduce_max3A_204 = vector.extract %reduce_max3A_203[15] : f32 from vector<16xf32>
    %eq3A_205 = vector.broadcast %reduce_max3A_204 : f32 to vector<16xf32>
    %eq3A_206 = arith.cmpf oeq, %parallel_loop3A_67#0, %eq3A_205 : vector<16xf32>
    %jit3A_207 = arith.constant 1073741824 : i32
    %broadcast_in_dim3A_208 = vector.broadcast %jit3A_207 : i32 to vector<16xi32>
    %select_n3A_209 = arith.select %eq3A_206, %add3A_201, %broadcast_in_dim3A_208 : vector<16xi1>, vector<16xi32>
    %reduce_min3A = arith.constant true
    %reduce_min3A_210 = vector.broadcast %reduce_min3A : i1 to vector<16xi1>
    %reduce_min3A_211 = arith.constant -2147483648 : i32
    %reduce_min3A_212 = vector.broadcast %reduce_min3A_211 : i32 to vector<16xi32>
    %reduce_min3A_213 = arith.xori %select_n3A_209, %reduce_min3A_212 : vector<16xi32>
    %reduce_min3A_214 = tpu.scan <min>, %reduce_min3A_213 masked %reduce_min3A_210 : vector<16xi32>, vector<16xi1> -> vector<16xi32>
    %reduce_min3A_215 = arith.xori %reduce_min3A_214, %reduce_min3A_212 : vector<16xi32>
    %reduce_min3A_216 = vector.extract %reduce_min3A_215[15] : i32 from vector<16xi32>
    %eq3A_217 = arith.constant 0 : i32
    %eq3A_218 = vector.broadcast %eq3A_217 : i32 to vector<16xi32>
    %eq3A_219 = arith.cmpi eq, %iota3A, %eq3A_218 : vector<16xi32>
    %jit3A_220 = arith.constant 0 : i32
    %broadcast_in_dim3A_221 = vector.broadcast %reduce_min3A_216 : i32 to vector<16xi32>
    %broadcast_in_dim3A_222 = vector.broadcast %jit3A_220 : i32 to vector<16xi32>
    %select_n3A_223 = arith.select %eq3A_219, %broadcast_in_dim3A_221, %broadcast_in_dim3A_222 : vector<16xi1>, vector<16xi32>
    %swap3A_224 = arith.constant 0 : i32
    %swap3A_225 = arith.index_cast %swap3A_224 : i32 to index
    %swap3A_226 = arith.constant 0 : index
    %swap3A_227 = tpu.vector_load %arg7[%swap3A_225, %swap3A_226] {strides = array<i32>} : memref<2x16xi32, #tpu.memory_space<vmem>>, vector<16xi32>,
    tpu.vector_store %arg7[%swap3A_225, %swap3A_226], %select_n3A_223 {strides = array<i32>} : memref<2x16xi32, #tpu.memory_space<vmem>>, vector<16xi32>,
    %add3A_228 = arith.constant 0 : i32
    %add3A_229 = arith.addi %mul3A_2, %add3A_228 : i32
    %dma_start3A_230 = arith.constant 0 : i32
    %dma_start3A_231 = arith.constant 0 : i32
    %dma_start3A_232 = tpu.memref_slice %arg7[%dma_start3A_230, %dma_start3A_231] : memref<2x16xi32, #tpu.memory_space<vmem>> -> memref<1x16xi32, #tpu.memory_space<vmem>>
    %dma_start3A_233 = tpu.memref_squeeze %dma_start3A_232 : memref<1x16xi32, #tpu.memory_space<vmem>> -> memref<16xi32, #tpu.memory_space<vmem>>
    %dma_start3A_234 = arith.constant 0 : i32
    %dma_start3A_235 = tpu.memref_slice %arg3[%add3A_229, %dma_start3A_234] : memref<128x16xi32, #tpu.memory_space<hbm>> -> memref<1x16xi32, #tpu.memory_space<hbm>>
    %dma_start3A_236 = tpu.memref_squeeze %dma_start3A_235 : memref<1x16xi32, #tpu.memory_space<hbm>> -> memref<16xi32, #tpu.memory_space<hbm>>
    %dma_start3A_237 = arith.constant 0 : i32
    %dma_start3A_238 = tpu.memref_slice %arg3[%add3A_229, %dma_start3A_237] : memref<128x16xi32, #tpu.memory_space<hbm>> -> memref<1x16xi32, #tpu.memory_space<hbm>>
    %dma_start3A_239 = tpu.memref_squeeze %dma_start3A_238 : memref<1x16xi32, #tpu.memory_space<hbm>> -> memref<16xi32, #tpu.memory_space<hbm>>
    %dma_start3A_240 = arith.constant 0 : i32
    %dma_start3A_241 = tpu.memref_slice %arg7[%dma_start3A_230, %dma_start3A_240] : memref<2x16xi32, #tpu.memory_space<vmem>> -> memref<1x16xi32, #tpu.memory_space<vmem>>
    %dma_start3A_242 = tpu.memref_squeeze %dma_start3A_241 : memref<1x16xi32, #tpu.memory_space<vmem>> -> memref<16xi32, #tpu.memory_space<vmem>>
    tpu.enqueue_dma source(%dma_start3A_242 : memref<16xi32, #tpu.memory_space<vmem>>) target(%dma_start3A_239 : memref<16xi32, #tpu.memory_space<hbm>>) target_semaphore(%arg10 : memref<!tpu.dma_semaphore, #tpu.memory_space<semaphore_mem>>)
    %broadcast_in_dim3A_243 = arith.constant 0xFF800000 : f32
    %broadcast_in_dim3A_244 = vector.broadcast %broadcast_in_dim3A_243 : f32 to vector<16xf32>
    %broadcast_in_dim3A_245 = arith.constant 0 : i32
    %broadcast_in_dim3A_246 = vector.broadcast %broadcast_in_dim3A_245 : i32 to vector<16xi32>
    %dma_wait3A_247 = arith.constant 0 : i32
    %dma_wait3A_248 = tpu.memref_slice %arg5[%dma_wait3A_247] : memref<32768xf32, #tpu.memory_space<vmem>> -> memref<32768xf32, #tpu.memory_space<vmem>>
    %dma_wait3A_249 = arith.constant 0 : i32
    %dma_wait3A_250 = tpu.memref_slice %arg2[%add3A_15, %dma_wait3A_249] : memref<128x32768xf32, #tpu.memory_space<hbm>> -> memref<1x32768xf32, #tpu.memory_space<hbm>>
    %dma_wait3A_251 = tpu.memref_squeeze %dma_wait3A_250 : memref<1x32768xf32, #tpu.memory_space<hbm>> -> memref<32768xf32, #tpu.memory_space<hbm>>
    %dma_wait3A_252 = arith.constant 0 : i32
    %dma_wait3A_253 = tpu.memref_slice %arg5[%dma_wait3A_252] : memref<32768xf32, #tpu.memory_space<vmem>> -> memref<32768xf32, #tpu.memory_space<vmem>>
    %dma_wait3A_254 = arith.constant 0 : i32
    %dma_wait3A_255 = tpu.memref_slice %arg2[%add3A_15, %dma_wait3A_254] : memref<128x32768xf32, #tpu.memory_space<hbm>> -> memref<1x32768xf32, #tpu.memory_space<hbm>>
    %dma_wait3A_256 = tpu.memref_squeeze %dma_wait3A_255 : memref<1x32768xf32, #tpu.memory_space<hbm>> -> memref<32768xf32, #tpu.memory_space<hbm>>
    tpu.wait_dma2 semaphore(%arg9 : memref<!tpu.dma_semaphore, #tpu.memory_space<semaphore_mem>>) src(%dma_wait3A_256 : memref<32768xf32, #tpu.memory_space<hbm>>) dst(%dma_wait3A_253 : memref<32768xf32, #tpu.memory_space<vmem>>)
    %parallel_loop3A_257 = arith.constant 0 : i32
    %parallel_loop3A_258 = arith.constant 128 : i32
    %parallel_loop3A_259 = arith.constant 1 : i32
    %parallel_loop3A_260:2 = scf.for %parallel_loop3A_480 = %parallel_loop3A_257 to %parallel_loop3A_258 step %parallel_loop3A_259 iter_args(%parallel_loop3A_481 = %broadcast_in_dim3A_244, %parallel_loop3A_482 = %broadcast_in_dim3A_246) -> (vector<16xf32>, vector<16xi32>)  : i32 {
      %parallel_loop3A_483 = arith.constant 256 : i32
      %parallel_loop3A_484 = arith.muli %parallel_loop3A_480, %parallel_loop3A_483 : i32
      %parallel_loop3A_485 = arith.constant 0 : i32
      %parallel_loop3A_486 = arith.addi %parallel_loop3A_484, %parallel_loop3A_485 : i32
      %parallel_loop3A_487 = arith.index_cast %parallel_loop3A_486 : i32 to index
      %parallel_loop3A_488 = tpu.vector_load %arg5[%parallel_loop3A_487] {strides = array<i32>} : memref<32768xf32, #tpu.memory_space<vmem>>, vector<16xf32>,
      %parallel_loop3A_489 = arith.constant 16 : i32
      %parallel_loop3A_490 = arith.addi %parallel_loop3A_484, %parallel_loop3A_489 : i32
      %parallel_loop3A_491 = arith.index_cast %parallel_loop3A_490 : i32 to index
      %parallel_loop3A_492 = tpu.vector_load %arg5[%parallel_loop3A_491] {strides = array<i32>} : memref<32768xf32, #tpu.memory_space<vmem>>, vector<16xf32>,
      %parallel_loop3A_493 = arith.constant 32 : i32
      %parallel_loop3A_494 = arith.addi %parallel_loop3A_484, %parallel_loop3A_493 : i32
      %parallel_loop3A_495 = arith.index_cast %parallel_loop3A_494 : i32 to index
      %parallel_loop3A_496 = tpu.vector_load %arg5[%parallel_loop3A_495] {strides = array<i32>} : memref<32768xf32, #tpu.memory_space<vmem>>, vector<16xf32>,
      %parallel_loop3A_497 = arith.constant 48 : i32
      %parallel_loop3A_498 = arith.addi %parallel_loop3A_484, %parallel_loop3A_497 : i32
      %parallel_loop3A_499 = arith.index_cast %parallel_loop3A_498 : i32 to index
      %parallel_loop3A_500 = tpu.vector_load %arg5[%parallel_loop3A_499] {strides = array<i32>} : memref<32768xf32, #tpu.memory_space<vmem>>, vector<16xf32>,
      %parallel_loop3A_501 = arith.constant 64 : i32
      %parallel_loop3A_502 = arith.addi %parallel_loop3A_484, %parallel_loop3A_501 : i32
      %parallel_loop3A_503 = arith.index_cast %parallel_loop3A_502 : i32 to index
      %parallel_loop3A_504 = tpu.vector_load %arg5[%parallel_loop3A_503] {strides = array<i32>} : memref<32768xf32, #tpu.memory_space<vmem>>, vector<16xf32>,
      %parallel_loop3A_505 = arith.constant 80 : i32
      %parallel_loop3A_506 = arith.addi %parallel_loop3A_484, %parallel_loop3A_505 : i32
      %parallel_loop3A_507 = arith.index_cast %parallel_loop3A_506 : i32 to index
      %parallel_loop3A_508 = tpu.vector_load %arg5[%parallel_loop3A_507] {strides = array<i32>} : memref<32768xf32, #tpu.memory_space<vmem>>, vector<16xf32>,
      %parallel_loop3A_509 = arith.constant 96 : i32
      %parallel_loop3A_510 = arith.addi %parallel_loop3A_484, %parallel_loop3A_509 : i32
      %parallel_loop3A_511 = arith.index_cast %parallel_loop3A_510 : i32 to index
      %parallel_loop3A_512 = tpu.vector_load %arg5[%parallel_loop3A_511] {strides = array<i32>} : memref<32768xf32, #tpu.memory_space<vmem>>, vector<16xf32>,
      %parallel_loop3A_513 = arith.constant 112 : i32
      %parallel_loop3A_514 = arith.addi %parallel_loop3A_484, %parallel_loop3A_513 : i32
      %parallel_loop3A_515 = arith.index_cast %parallel_loop3A_514 : i32 to index
      %parallel_loop3A_516 = tpu.vector_load %arg5[%parallel_loop3A_515] {strides = array<i32>} : memref<32768xf32, #tpu.memory_space<vmem>>, vector<16xf32>,
      %parallel_loop3A_517 = arith.constant 128 : i32
      %parallel_loop3A_518 = arith.addi %parallel_loop3A_484, %parallel_loop3A_517 : i32
      %parallel_loop3A_519 = arith.index_cast %parallel_loop3A_518 : i32 to index
      %parallel_loop3A_520 = tpu.vector_load %arg5[%parallel_loop3A_519] {strides = array<i32>} : memref<32768xf32, #tpu.memory_space<vmem>>, vector<16xf32>,
      %parallel_loop3A_521 = arith.constant 144 : i32
      %parallel_loop3A_522 = arith.addi %parallel_loop3A_484, %parallel_loop3A_521 : i32
      %parallel_loop3A_523 = arith.index_cast %parallel_loop3A_522 : i32 to index
      %parallel_loop3A_524 = tpu.vector_load %arg5[%parallel_loop3A_523] {strides = array<i32>} : memref<32768xf32, #tpu.memory_space<vmem>>, vector<16xf32>,
      %parallel_loop3A_525 = arith.constant 160 : i32
      %parallel_loop3A_526 = arith.addi %parallel_loop3A_484, %parallel_loop3A_525 : i32
      %parallel_loop3A_527 = arith.index_cast %parallel_loop3A_526 : i32 to index
      %parallel_loop3A_528 = tpu.vector_load %arg5[%parallel_loop3A_527] {strides = array<i32>} : memref<32768xf32, #tpu.memory_space<vmem>>, vector<16xf32>,
      %parallel_loop3A_529 = arith.constant 176 : i32
      %parallel_loop3A_530 = arith.addi %parallel_loop3A_484, %parallel_loop3A_529 : i32
      %parallel_loop3A_531 = arith.index_cast %parallel_loop3A_530 : i32 to index
      %parallel_loop3A_532 = tpu.vector_load %arg5[%parallel_loop3A_531] {strides = array<i32>} : memref<32768xf32, #tpu.memory_space<vmem>>, vector<16xf32>,
      %parallel_loop3A_533 = arith.constant 192 : i32
      %parallel_loop3A_534 = arith.addi %parallel_loop3A_484, %parallel_loop3A_533 : i32
      %parallel_loop3A_535 = arith.index_cast %parallel_loop3A_534 : i32 to index
      %parallel_loop3A_536 = tpu.vector_load %arg5[%parallel_loop3A_535] {strides = array<i32>} : memref<32768xf32, #tpu.memory_space<vmem>>, vector<16xf32>,
      %parallel_loop3A_537 = arith.constant 208 : i32
      %parallel_loop3A_538 = arith.addi %parallel_loop3A_484, %parallel_loop3A_537 : i32
      %parallel_loop3A_539 = arith.index_cast %parallel_loop3A_538 : i32 to index
      %parallel_loop3A_540 = tpu.vector_load %arg5[%parallel_loop3A_539] {strides = array<i32>} : memref<32768xf32, #tpu.memory_space<vmem>>, vector<16xf32>,
      %parallel_loop3A_541 = arith.constant 224 : i32
      %parallel_loop3A_542 = arith.addi %parallel_loop3A_484, %parallel_loop3A_541 : i32
      %parallel_loop3A_543 = arith.index_cast %parallel_loop3A_542 : i32 to index
      %parallel_loop3A_544 = tpu.vector_load %arg5[%parallel_loop3A_543] {strides = array<i32>} : memref<32768xf32, #tpu.memory_space<vmem>>, vector<16xf32>,
      %parallel_loop3A_545 = arith.constant 240 : i32
      %parallel_loop3A_546 = arith.addi %parallel_loop3A_484, %parallel_loop3A_545 : i32
      %parallel_loop3A_547 = arith.index_cast %parallel_loop3A_546 : i32 to index
      %parallel_loop3A_548 = tpu.vector_load %arg5[%parallel_loop3A_547] {strides = array<i32>} : memref<32768xf32, #tpu.memory_space<vmem>>, vector<16xf32>,
      %parallel_loop3A_549 = arith.maximumf %parallel_loop3A_488, %parallel_loop3A_492 : vector<16xf32>
      %parallel_loop3A_550 = arith.maximumf %parallel_loop3A_496, %parallel_loop3A_500 : vector<16xf32>
      %parallel_loop3A_551 = arith.maximumf %parallel_loop3A_504, %parallel_loop3A_508 : vector<16xf32>
      %parallel_loop3A_552 = arith.maximumf %parallel_loop3A_512, %parallel_loop3A_516 : vector<16xf32>
      %parallel_loop3A_553 = arith.maximumf %parallel_loop3A_520, %parallel_loop3A_524 : vector<16xf32>
      %parallel_loop3A_554 = arith.maximumf %parallel_loop3A_528, %parallel_loop3A_532 : vector<16xf32>
      %parallel_loop3A_555 = arith.maximumf %parallel_loop3A_536, %parallel_loop3A_540 : vector<16xf32>
      %parallel_loop3A_556 = arith.maximumf %parallel_loop3A_544, %parallel_loop3A_548 : vector<16xf32>
      %parallel_loop3A_557 = arith.maximumf %parallel_loop3A_549, %parallel_loop3A_550 : vector<16xf32>
      %parallel_loop3A_558 = arith.maximumf %parallel_loop3A_551, %parallel_loop3A_552 : vector<16xf32>
      %parallel_loop3A_559 = arith.maximumf %parallel_loop3A_553, %parallel_loop3A_554 : vector<16xf32>
      %parallel_loop3A_560 = arith.maximumf %parallel_loop3A_555, %parallel_loop3A_556 : vector<16xf32>
      %parallel_loop3A_561 = arith.maximumf %parallel_loop3A_557, %parallel_loop3A_558 : vector<16xf32>
      %parallel_loop3A_562 = arith.maximumf %parallel_loop3A_559, %parallel_loop3A_560 : vector<16xf32>
      %parallel_loop3A_563 = arith.maximumf %parallel_loop3A_561, %parallel_loop3A_562 : vector<16xf32>
      %parallel_loop3A_564 = arith.cmpf ogt, %parallel_loop3A_563, %parallel_loop3A_481 : vector<16xf32>
      %parallel_loop3A_565 = arith.maximumf %parallel_loop3A_481, %parallel_loop3A_563 : vector<16xf32>
      %parallel_loop3A_566 = vector.broadcast %parallel_loop3A_480 : i32 to vector<16xi32>
      %parallel_loop3A_567 = arith.select %parallel_loop3A_564, %parallel_loop3A_566, %parallel_loop3A_482 : vector<16xi1>, vector<16xi32>
      scf.yield %parallel_loop3A_565, %parallel_loop3A_567 : vector<16xf32>, vector<16xi32>
    } {sc.loop_unroll_factor = 2 : i64, sc.parallel_access}
    %mul3A_261 = arith.constant 256 : i32
    %mul3A_262 = vector.broadcast %mul3A_261 : i32 to vector<16xi32>
    %mul3A_263 = arith.muli %parallel_loop3A_260#1, %mul3A_262 : vector<16xi32>
    %add3A_264 = arith.addi %mul3A_263, %iota3A : vector<16xi32>
    %broadcast_in_dim3A_265 = arith.constant 0 : i32
    %broadcast_in_dim3A_266 = vector.broadcast %broadcast_in_dim3A_265 : i32 to vector<16xi32>
    %add3A_267 = arith.constant 240 : i32
    %add3A_268 = vector.broadcast %add3A_267 : i32 to vector<16xi32>
    %add3A_269 = arith.addi %add3A_264, %add3A_268 : vector<16xi32>
    %gather3A_270 = tpu.vector_load_idx %arg5[%add3A_269] : memref<32768xf32, #tpu.memory_space<vmem>>[vector<16xi32>], vector<16xf32>,
    %eq3A_271 = arith.cmpf oeq, %gather3A_270, %parallel_loop3A_260#0 : vector<16xf32>
    %jit3A_272 = arith.constant 15 : i32
    %broadcast_in_dim3A_273 = vector.broadcast %jit3A_272 : i32 to vector<16xi32>
    %select_n3A_274 = arith.select %eq3A_271, %broadcast_in_dim3A_273, %broadcast_in_dim3A_266 : vector<16xi1>, vector<16xi32>
    %add3A_275 = arith.constant 224 : i32
    %add3A_276 = vector.broadcast %add3A_275 : i32 to vector<16xi32>
    %add3A_277 = arith.addi %add3A_264, %add3A_276 : vector<16xi32>
    %gather3A_278 = tpu.vector_load_idx %arg5[%add3A_277] : memref<32768xf32, #tpu.memory_space<vmem>>[vector<16xi32>], vector<16xf32>,
    %eq3A_279 = arith.cmpf oeq, %gather3A_278, %parallel_loop3A_260#0 : vector<16xf32>
    %jit3A_280 = arith.constant 14 : i32
    %broadcast_in_dim3A_281 = vector.broadcast %jit3A_280 : i32 to vector<16xi32>
    %select_n3A_282 = arith.select %eq3A_279, %broadcast_in_dim3A_281, %select_n3A_274 : vector<16xi1>, vector<16xi32>
    %add3A_283 = arith.constant 208 : i32
    %add3A_284 = vector.broadcast %add3A_283 : i32 to vector<16xi32>
    %add3A_285 = arith.addi %add3A_264, %add3A_284 : vector<16xi32>
    %gather3A_286 = tpu.vector_load_idx %arg5[%add3A_285] : memref<32768xf32, #tpu.memory_space<vmem>>[vector<16xi32>], vector<16xf32>,
    %eq3A_287 = arith.cmpf oeq, %gather3A_286, %parallel_loop3A_260#0 : vector<16xf32>
    %jit3A_288 = arith.constant 13 : i32
    %broadcast_in_dim3A_289 = vector.broadcast %jit3A_288 : i32 to vector<16xi32>
    %select_n3A_290 = arith.select %eq3A_287, %broadcast_in_dim3A_289, %select_n3A_282 : vector<16xi1>, vector<16xi32>
    %add3A_291 = arith.constant 192 : i32
    %add3A_292 = vector.broadcast %add3A_291 : i32 to vector<16xi32>
    %add3A_293 = arith.addi %add3A_264, %add3A_292 : vector<16xi32>
    %gather3A_294 = tpu.vector_load_idx %arg5[%add3A_293] : memref<32768xf32, #tpu.memory_space<vmem>>[vector<16xi32>], vector<16xf32>,
    %eq3A_295 = arith.cmpf oeq, %gather3A_294, %parallel_loop3A_260#0 : vector<16xf32>
    %jit3A_296 = arith.constant 12 : i32
    %broadcast_in_dim3A_297 = vector.broadcast %jit3A_296 : i32 to vector<16xi32>
    %select_n3A_298 = arith.select %eq3A_295, %broadcast_in_dim3A_297, %select_n3A_290 : vector<16xi1>, vector<16xi32>
    %add3A_299 = arith.constant 176 : i32
    %add3A_300 = vector.broadcast %add3A_299 : i32 to vector<16xi32>
    %add3A_301 = arith.addi %add3A_264, %add3A_300 : vector<16xi32>
    %gather3A_302 = tpu.vector_load_idx %arg5[%add3A_301] : memref<32768xf32, #tpu.memory_space<vmem>>[vector<16xi32>], vector<16xf32>,
    %eq3A_303 = arith.cmpf oeq, %gather3A_302, %parallel_loop3A_260#0 : vector<16xf32>
    %jit3A_304 = arith.constant 11 : i32
    %broadcast_in_dim3A_305 = vector.broadcast %jit3A_304 : i32 to vector<16xi32>
    %select_n3A_306 = arith.select %eq3A_303, %broadcast_in_dim3A_305, %select_n3A_298 : vector<16xi1>, vector<16xi32>
    %add3A_307 = arith.constant 160 : i32
    %add3A_308 = vector.broadcast %add3A_307 : i32 to vector<16xi32>
    %add3A_309 = arith.addi %add3A_264, %add3A_308 : vector<16xi32>
    %gather3A_310 = tpu.vector_load_idx %arg5[%add3A_309] : memref<32768xf32, #tpu.memory_space<vmem>>[vector<16xi32>], vector<16xf32>,
    %eq3A_311 = arith.cmpf oeq, %gather3A_310, %parallel_loop3A_260#0 : vector<16xf32>
    %jit3A_312 = arith.constant 10 : i32
    %broadcast_in_dim3A_313 = vector.broadcast %jit3A_312 : i32 to vector<16xi32>
    %select_n3A_314 = arith.select %eq3A_311, %broadcast_in_dim3A_313, %select_n3A_306 : vector<16xi1>, vector<16xi32>
    %add3A_315 = arith.constant 144 : i32
    %add3A_316 = vector.broadcast %add3A_315 : i32 to vector<16xi32>
    %add3A_317 = arith.addi %add3A_264, %add3A_316 : vector<16xi32>
    %gather3A_318 = tpu.vector_load_idx %arg5[%add3A_317] : memref<32768xf32, #tpu.memory_space<vmem>>[vector<16xi32>], vector<16xf32>,
    %eq3A_319 = arith.cmpf oeq, %gather3A_318, %parallel_loop3A_260#0 : vector<16xf32>
    %jit3A_320 = arith.constant 9 : i32
    %broadcast_in_dim3A_321 = vector.broadcast %jit3A_320 : i32 to vector<16xi32>
    %select_n3A_322 = arith.select %eq3A_319, %broadcast_in_dim3A_321, %select_n3A_314 : vector<16xi1>, vector<16xi32>
    %add3A_323 = arith.constant 128 : i32
    %add3A_324 = vector.broadcast %add3A_323 : i32 to vector<16xi32>
    %add3A_325 = arith.addi %add3A_264, %add3A_324 : vector<16xi32>
    %gather3A_326 = tpu.vector_load_idx %arg5[%add3A_325] : memref<32768xf32, #tpu.memory_space<vmem>>[vector<16xi32>], vector<16xf32>,
    %eq3A_327 = arith.cmpf oeq, %gather3A_326, %parallel_loop3A_260#0 : vector<16xf32>
    %jit3A_328 = arith.constant 8 : i32
    %broadcast_in_dim3A_329 = vector.broadcast %jit3A_328 : i32 to vector<16xi32>
    %select_n3A_330 = arith.select %eq3A_327, %broadcast_in_dim3A_329, %select_n3A_322 : vector<16xi1>, vector<16xi32>
    %add3A_331 = arith.constant 112 : i32
    %add3A_332 = vector.broadcast %add3A_331 : i32 to vector<16xi32>
    %add3A_333 = arith.addi %add3A_264, %add3A_332 : vector<16xi32>
    %gather3A_334 = tpu.vector_load_idx %arg5[%add3A_333] : memref<32768xf32, #tpu.memory_space<vmem>>[vector<16xi32>], vector<16xf32>,
    %eq3A_335 = arith.cmpf oeq, %gather3A_334, %parallel_loop3A_260#0 : vector<16xf32>
    %jit3A_336 = arith.constant 7 : i32
    %broadcast_in_dim3A_337 = vector.broadcast %jit3A_336 : i32 to vector<16xi32>
    %select_n3A_338 = arith.select %eq3A_335, %broadcast_in_dim3A_337, %select_n3A_330 : vector<16xi1>, vector<16xi32>
    %add3A_339 = arith.constant 96 : i32
    %add3A_340 = vector.broadcast %add3A_339 : i32 to vector<16xi32>
    %add3A_341 = arith.addi %add3A_264, %add3A_340 : vector<16xi32>
    %gather3A_342 = tpu.vector_load_idx %arg5[%add3A_341] : memref<32768xf32, #tpu.memory_space<vmem>>[vector<16xi32>], vector<16xf32>,
    %eq3A_343 = arith.cmpf oeq, %gather3A_342, %parallel_loop3A_260#0 : vector<16xf32>
    %jit3A_344 = arith.constant 6 : i32
    %broadcast_in_dim3A_345 = vector.broadcast %jit3A_344 : i32 to vector<16xi32>
    %select_n3A_346 = arith.select %eq3A_343, %broadcast_in_dim3A_345, %select_n3A_338 : vector<16xi1>, vector<16xi32>
    %add3A_347 = arith.constant 80 : i32
    %add3A_348 = vector.broadcast %add3A_347 : i32 to vector<16xi32>
    %add3A_349 = arith.addi %add3A_264, %add3A_348 : vector<16xi32>
    %gather3A_350 = tpu.vector_load_idx %arg5[%add3A_349] : memref<32768xf32, #tpu.memory_space<vmem>>[vector<16xi32>], vector<16xf32>,
    %eq3A_351 = arith.cmpf oeq, %gather3A_350, %parallel_loop3A_260#0 : vector<16xf32>
    %jit3A_352 = arith.constant 5 : i32
    %broadcast_in_dim3A_353 = vector.broadcast %jit3A_352 : i32 to vector<16xi32>
    %select_n3A_354 = arith.select %eq3A_351, %broadcast_in_dim3A_353, %select_n3A_346 : vector<16xi1>, vector<16xi32>
    %add3A_355 = arith.constant 64 : i32
    %add3A_356 = vector.broadcast %add3A_355 : i32 to vector<16xi32>
    %add3A_357 = arith.addi %add3A_264, %add3A_356 : vector<16xi32>
    %gather3A_358 = tpu.vector_load_idx %arg5[%add3A_357] : memref<32768xf32, #tpu.memory_space<vmem>>[vector<16xi32>], vector<16xf32>,
    %eq3A_359 = arith.cmpf oeq, %gather3A_358, %parallel_loop3A_260#0 : vector<16xf32>
    %jit3A_360 = arith.constant 4 : i32
    %broadcast_in_dim3A_361 = vector.broadcast %jit3A_360 : i32 to vector<16xi32>
    %select_n3A_362 = arith.select %eq3A_359, %broadcast_in_dim3A_361, %select_n3A_354 : vector<16xi1>, vector<16xi32>
    %add3A_363 = arith.constant 48 : i32
    %add3A_364 = vector.broadcast %add3A_363 : i32 to vector<16xi32>
    %add3A_365 = arith.addi %add3A_264, %add3A_364 : vector<16xi32>
    %gather3A_366 = tpu.vector_load_idx %arg5[%add3A_365] : memref<32768xf32, #tpu.memory_space<vmem>>[vector<16xi32>], vector<16xf32>,
    %eq3A_367 = arith.cmpf oeq, %gather3A_366, %parallel_loop3A_260#0 : vector<16xf32>
    %jit3A_368 = arith.constant 3 : i32
    %broadcast_in_dim3A_369 = vector.broadcast %jit3A_368 : i32 to vector<16xi32>
    %select_n3A_370 = arith.select %eq3A_367, %broadcast_in_dim3A_369, %select_n3A_362 : vector<16xi1>, vector<16xi32>
    %add3A_371 = arith.constant 32 : i32
    %add3A_372 = vector.broadcast %add3A_371 : i32 to vector<16xi32>
    %add3A_373 = arith.addi %add3A_264, %add3A_372 : vector<16xi32>
    %gather3A_374 = tpu.vector_load_idx %arg5[%add3A_373] : memref<32768xf32, #tpu.memory_space<vmem>>[vector<16xi32>], vector<16xf32>,
    %eq3A_375 = arith.cmpf oeq, %gather3A_374, %parallel_loop3A_260#0 : vector<16xf32>
    %jit3A_376 = arith.constant 2 : i32
    %broadcast_in_dim3A_377 = vector.broadcast %jit3A_376 : i32 to vector<16xi32>
    %select_n3A_378 = arith.select %eq3A_375, %broadcast_in_dim3A_377, %select_n3A_370 : vector<16xi1>, vector<16xi32>
    %add3A_379 = arith.constant 16 : i32
    %add3A_380 = vector.broadcast %add3A_379 : i32 to vector<16xi32>
    %add3A_381 = arith.addi %add3A_264, %add3A_380 : vector<16xi32>
    %gather3A_382 = tpu.vector_load_idx %arg5[%add3A_381] : memref<32768xf32, #tpu.memory_space<vmem>>[vector<16xi32>], vector<16xf32>,
    %eq3A_383 = arith.cmpf oeq, %gather3A_382, %parallel_loop3A_260#0 : vector<16xf32>
    %jit3A_384 = arith.constant 1 : i32
    %broadcast_in_dim3A_385 = vector.broadcast %jit3A_384 : i32 to vector<16xi32>
    %select_n3A_386 = arith.select %eq3A_383, %broadcast_in_dim3A_385, %select_n3A_378 : vector<16xi1>, vector<16xi32>
    %add3A_387 = arith.constant 0 : i32
    %add3A_388 = vector.broadcast %add3A_387 : i32 to vector<16xi32>
    %add3A_389 = arith.addi %add3A_264, %add3A_388 : vector<16xi32>
    %gather3A_390 = tpu.vector_load_idx %arg5[%add3A_389] : memref<32768xf32, #tpu.memory_space<vmem>>[vector<16xi32>], vector<16xf32>,
    %eq3A_391 = arith.cmpf oeq, %gather3A_390, %parallel_loop3A_260#0 : vector<16xf32>
    %jit3A_392 = arith.constant 0 : i32
    %broadcast_in_dim3A_393 = vector.broadcast %jit3A_392 : i32 to vector<16xi32>
    %select_n3A_394 = arith.select %eq3A_391, %broadcast_in_dim3A_393, %select_n3A_386 : vector<16xi1>, vector<16xi32>
    %mul3A_395 = arith.constant 16 : i32
    %mul3A_396 = vector.broadcast %mul3A_395 : i32 to vector<16xi32>
    %mul3A_397 = arith.muli %select_n3A_394, %mul3A_396 : vector<16xi32>
    %add3A_398 = arith.addi %add3A_264, %mul3A_397 : vector<16xi32>
    %reduce_max3A_399 = arith.constant true
    %reduce_max3A_400 = vector.broadcast %reduce_max3A_399 : i1 to vector<16xi1>
    %reduce_max3A_401 = tpu.scan <max>, %parallel_loop3A_260#0 masked %reduce_max3A_400 : vector<16xf32>, vector<16xi1> -> vector<16xf32>
    %reduce_max3A_402 = vector.extract %reduce_max3A_401[15] : f32 from vector<16xf32>
    %eq3A_403 = vector.broadcast %reduce_max3A_402 : f32 to vector<16xf32>
    %eq3A_404 = arith.cmpf oeq, %parallel_loop3A_260#0, %eq3A_403 : vector<16xf32>
    %jit3A_405 = arith.constant 1073741824 : i32
    %broadcast_in_dim3A_406 = vector.broadcast %jit3A_405 : i32 to vector<16xi32>
    %select_n3A_407 = arith.select %eq3A_404, %add3A_398, %broadcast_in_dim3A_406 : vector<16xi1>, vector<16xi32>
    %reduce_min3A_408 = arith.constant true
    %reduce_min3A_409 = vector.broadcast %reduce_min3A_408 : i1 to vector<16xi1>
    %reduce_min3A_410 = arith.constant -2147483648 : i32
    %reduce_min3A_411 = vector.broadcast %reduce_min3A_410 : i32 to vector<16xi32>
    %reduce_min3A_412 = arith.xori %select_n3A_407, %reduce_min3A_411 : vector<16xi32>
    %reduce_min3A_413 = tpu.scan <min>, %reduce_min3A_412 masked %reduce_min3A_409 : vector<16xi32>, vector<16xi1> -> vector<16xi32>
    %reduce_min3A_414 = arith.xori %reduce_min3A_413, %reduce_min3A_411 : vector<16xi32>
    %reduce_min3A_415 = vector.extract %reduce_min3A_414[15] : i32 from vector<16xi32>
    %eq3A_416 = arith.constant 0 : i32
    %eq3A_417 = vector.broadcast %eq3A_416 : i32 to vector<16xi32>
    %eq3A_418 = arith.cmpi eq, %iota3A, %eq3A_417 : vector<16xi32>
    %jit3A_419 = arith.constant 0 : i32
    %broadcast_in_dim3A_420 = vector.broadcast %reduce_min3A_415 : i32 to vector<16xi32>
    %broadcast_in_dim3A_421 = vector.broadcast %jit3A_419 : i32 to vector<16xi32>
    %select_n3A_422 = arith.select %eq3A_418, %broadcast_in_dim3A_420, %broadcast_in_dim3A_421 : vector<16xi1>, vector<16xi32>
    %swap3A_423 = arith.constant 1 : i32
    %swap3A_424 = arith.index_cast %swap3A_423 : i32 to index
    %swap3A_425 = arith.constant 0 : index
    %swap3A_426 = tpu.vector_load %arg7[%swap3A_424, %swap3A_425] {strides = array<i32>} : memref<2x16xi32, #tpu.memory_space<vmem>>, vector<16xi32>,
    tpu.vector_store %arg7[%swap3A_424, %swap3A_425], %select_n3A_422 {strides = array<i32>} : memref<2x16xi32, #tpu.memory_space<vmem>>, vector<16xi32>,
    %add3A_427 = arith.constant 1 : i32
    %add3A_428 = arith.addi %mul3A_2, %add3A_427 : i32
    %dma_start3A_429 = arith.constant 1 : i32
    %dma_start3A_430 = arith.constant 0 : i32
    %dma_start3A_431 = tpu.memref_slice %arg7[%dma_start3A_429, %dma_start3A_430] : memref<2x16xi32, #tpu.memory_space<vmem>> -> memref<1x16xi32, #tpu.memory_space<vmem>>
    %dma_start3A_432 = tpu.memref_squeeze %dma_start3A_431 : memref<1x16xi32, #tpu.memory_space<vmem>> -> memref<16xi32, #tpu.memory_space<vmem>>
    %dma_start3A_433 = arith.constant 0 : i32
    %dma_start3A_434 = tpu.memref_slice %arg3[%add3A_428, %dma_start3A_433] : memref<128x16xi32, #tpu.memory_space<hbm>> -> memref<1x16xi32, #tpu.memory_space<hbm>>
    %dma_start3A_435 = tpu.memref_squeeze %dma_start3A_434 : memref<1x16xi32, #tpu.memory_space<hbm>> -> memref<16xi32, #tpu.memory_space<hbm>>
    %dma_start3A_436 = arith.constant 0 : i32
    %dma_start3A_437 = tpu.memref_slice %arg3[%add3A_428, %dma_start3A_436] : memref<128x16xi32, #tpu.memory_space<hbm>> -> memref<1x16xi32, #tpu.memory_space<hbm>>
    %dma_start3A_438 = tpu.memref_squeeze %dma_start3A_437 : memref<1x16xi32, #tpu.memory_space<hbm>> -> memref<16xi32, #tpu.memory_space<hbm>>
    %dma_start3A_439 = arith.constant 0 : i32
    %dma_start3A_440 = tpu.memref_slice %arg7[%dma_start3A_429, %dma_start3A_439] : memref<2x16xi32, #tpu.memory_space<vmem>> -> memref<1x16xi32, #tpu.memory_space<vmem>>
    %dma_start3A_441 = tpu.memref_squeeze %dma_start3A_440 : memref<1x16xi32, #tpu.memory_space<vmem>> -> memref<16xi32, #tpu.memory_space<vmem>>
    tpu.enqueue_dma source(%dma_start3A_441 : memref<16xi32, #tpu.memory_space<vmem>>) target(%dma_start3A_438 : memref<16xi32, #tpu.memory_space<hbm>>) target_semaphore(%arg10 : memref<!tpu.dma_semaphore, #tpu.memory_space<semaphore_mem>>)
    %dma_wait3A_442 = arith.constant 0 : i32
    %dma_wait3A_443 = tpu.memref_slice %arg3[%add3A_33, %dma_wait3A_442] : memref<128x16xi32, #tpu.memory_space<hbm>> -> memref<1x16xi32, #tpu.memory_space<hbm>>
    %dma_wait3A_444 = tpu.memref_squeeze %dma_wait3A_443 : memref<1x16xi32, #tpu.memory_space<hbm>> -> memref<16xi32, #tpu.memory_space<hbm>>
    %dma_wait3A_445 = arith.constant 0 : i32
    %dma_wait3A_446 = tpu.memref_slice %arg3[%add3A_33, %dma_wait3A_445] : memref<128x16xi32, #tpu.memory_space<hbm>> -> memref<1x16xi32, #tpu.memory_space<hbm>>
    %dma_wait3A_447 = tpu.memref_squeeze %dma_wait3A_446 : memref<1x16xi32, #tpu.memory_space<hbm>> -> memref<16xi32, #tpu.memory_space<hbm>>
    tpu.wait_dma2 semaphore(%arg10 : memref<!tpu.dma_semaphore, #tpu.memory_space<semaphore_mem>>) src(%arg6 : memref<16xi32, #tpu.memory_space<vmem>>) dst(%dma_wait3A_447 : memref<16xi32, #tpu.memory_space<hbm>>)
    %dma_wait3A_448 = arith.constant 0 : i32
    %dma_wait3A_449 = tpu.memref_slice %arg3[%add3A_45, %dma_wait3A_448] : memref<128x16xi32, #tpu.memory_space<hbm>> -> memref<1x16xi32, #tpu.memory_space<hbm>>
    %dma_wait3A_450 = tpu.memref_squeeze %dma_wait3A_449 : memref<1x16xi32, #tpu.memory_space<hbm>> -> memref<16xi32, #tpu.memory_space<hbm>>
    %dma_wait3A_451 = arith.constant 0 : i32
    %dma_wait3A_452 = tpu.memref_slice %arg3[%add3A_45, %dma_wait3A_451] : memref<128x16xi32, #tpu.memory_space<hbm>> -> memref<1x16xi32, #tpu.memory_space<hbm>>
    %dma_wait3A_453 = tpu.memref_squeeze %dma_wait3A_452 : memref<1x16xi32, #tpu.memory_space<hbm>> -> memref<16xi32, #tpu.memory_space<hbm>>
    tpu.wait_dma2 semaphore(%arg10 : memref<!tpu.dma_semaphore, #tpu.memory_space<semaphore_mem>>) src(%arg6 : memref<16xi32, #tpu.memory_space<vmem>>) dst(%dma_wait3A_453 : memref<16xi32, #tpu.memory_space<hbm>>)
    %dma_wait3A_454 = arith.constant 0 : i32
    %dma_wait3A_455 = arith.constant 0 : i32
    %dma_wait3A_456 = tpu.memref_slice %arg7[%dma_wait3A_454, %dma_wait3A_455] : memref<2x16xi32, #tpu.memory_space<vmem>> -> memref<1x16xi32, #tpu.memory_space<vmem>>
    %dma_wait3A_457 = tpu.memref_squeeze %dma_wait3A_456 : memref<1x16xi32, #tpu.memory_space<vmem>> -> memref<16xi32, #tpu.memory_space<vmem>>
    %dma_wait3A_458 = arith.constant 0 : i32
    %dma_wait3A_459 = tpu.memref_slice %arg3[%add3A_229, %dma_wait3A_458] : memref<128x16xi32, #tpu.memory_space<hbm>> -> memref<1x16xi32, #tpu.memory_space<hbm>>
    %dma_wait3A_460 = tpu.memref_squeeze %dma_wait3A_459 : memref<1x16xi32, #tpu.memory_space<hbm>> -> memref<16xi32, #tpu.memory_space<hbm>>
    %dma_wait3A_461 = arith.constant 0 : i32
    %dma_wait3A_462 = tpu.memref_slice %arg3[%add3A_229, %dma_wait3A_461] : memref<128x16xi32, #tpu.memory_space<hbm>> -> memref<1x16xi32, #tpu.memory_space<hbm>>
    %dma_wait3A_463 = tpu.memref_squeeze %dma_wait3A_462 : memref<1x16xi32, #tpu.memory_space<hbm>> -> memref<16xi32, #tpu.memory_space<hbm>>
    %dma_wait3A_464 = arith.constant 0 : i32
    %dma_wait3A_465 = tpu.memref_slice %arg7[%dma_wait3A_454, %dma_wait3A_464] : memref<2x16xi32, #tpu.memory_space<vmem>> -> memref<1x16xi32, #tpu.memory_space<vmem>>
    %dma_wait3A_466 = tpu.memref_squeeze %dma_wait3A_465 : memref<1x16xi32, #tpu.memory_space<vmem>> -> memref<16xi32, #tpu.memory_space<vmem>>
    tpu.wait_dma2 semaphore(%arg10 : memref<!tpu.dma_semaphore, #tpu.memory_space<semaphore_mem>>) src(%dma_wait3A_466 : memref<16xi32, #tpu.memory_space<vmem>>) dst(%dma_wait3A_463 : memref<16xi32, #tpu.memory_space<hbm>>)
    %dma_wait3A_467 = arith.constant 1 : i32
    %dma_wait3A_468 = arith.constant 0 : i32
    %dma_wait3A_469 = tpu.memref_slice %arg7[%dma_wait3A_467, %dma_wait3A_468] : memref<2x16xi32, #tpu.memory_space<vmem>> -> memref<1x16xi32, #tpu.memory_space<vmem>>
    %dma_wait3A_470 = tpu.memref_squeeze %dma_wait3A_469 : memref<1x16xi32, #tpu.memory_space<vmem>> -> memref<16xi32, #tpu.memory_space<vmem>>
    %dma_wait3A_471 = arith.constant 0 : i32
    %dma_wait3A_472 = tpu.memref_slice %arg3[%add3A_428, %dma_wait3A_471] : memref<128x16xi32, #tpu.memory_space<hbm>> -> memref<1x16xi32, #tpu.memory_space<hbm>>
    %dma_wait3A_473 = tpu.memref_squeeze %dma_wait3A_472 : memref<1x16xi32, #tpu.memory_space<hbm>> -> memref<16xi32, #tpu.memory_space<hbm>>
    %dma_wait3A_474 = arith.constant 0 : i32
    %dma_wait3A_475 = tpu.memref_slice %arg3[%add3A_428, %dma_wait3A_474] : memref<128x16xi32, #tpu.memory_space<hbm>> -> memref<1x16xi32, #tpu.memory_space<hbm>>
    %dma_wait3A_476 = tpu.memref_squeeze %dma_wait3A_475 : memref<1x16xi32, #tpu.memory_space<hbm>> -> memref<16xi32, #tpu.memory_space<hbm>>
    %dma_wait3A_477 = arith.constant 0 : i32
    %dma_wait3A_478 = tpu.memref_slice %arg7[%dma_wait3A_467, %dma_wait3A_477] : memref<2x16xi32, #tpu.memory_space<vmem>> -> memref<1x16xi32, #tpu.memory_space<vmem>>
    %dma_wait3A_479 = tpu.memref_squeeze %dma_wait3A_478 : memref<1x16xi32, #tpu.memory_space<vmem>> -> memref<16xi32, #tpu.memory_space<vmem>>
    tpu.wait_dma2 semaphore(%arg10 : memref<!tpu.dma_semaphore, #tpu.memory_space<semaphore_mem>>) src(%dma_wait3A_479 : memref<16xi32, #tpu.memory_space<vmem>>) dst(%dma_wait3A_476 : memref<16xi32, #tpu.memory_space<hbm>>)
    return
  }
}

module attributes {stable_mosaic.version = 14 : i64} {
  func.func @body(%arg0: i32, %arg1: memref<64x4096xf32, #tpu.memory_space<vmem>>, %arg2: memref<128x1xi32, #tpu.memory_space<vmem>>, %arg3: memref<64x128xf32, #tpu.memory_space<vmem>>, %arg4: memref<64x128xi32, #tpu.memory_space<vmem>>, %arg5: memref<64x128xf32, #tpu.memory_space<vmem>>, %arg6: memref<64x128xi32, #tpu.memory_space<vmem>>) attributes {dimension_semantics = [#tpu.dimension_semantics<arbitrary>], iteration_bounds = array<i64: 8>, scalar_prefetch = 0 : i64, scratch_operands = 4 : i64, tpu.core_type = #tpu.core_type<tc>, window_params = [{transform_indices = @transform_0, window_bounds = array<i64: 64, 4096>}, {pipeline_mode = #tpu.pipeline_mode<synchronous>, transform_indices = @transform_1, window_bounds = array<i64: 128, 1>}]} {
    %eq3A = arith.constant 0 : i32
    %eq3A_0 = arith.cmpi eq, %arg0, %eq3A : i32
    %convert_element_type3A = arith.extui %eq3A_0 : i1 to i32
    %cond3A = arith.constant 0 : i32
    %cond3A_1 = arith.cmpi ne, %convert_element_type3A, %cond3A : i32
    scf.if %cond3A_1 {
      %broadcast_in_dim3A_375 = arith.constant 0xFF800000 : f32
      %broadcast_in_dim3A_376 = vector.broadcast %broadcast_in_dim3A_375 : f32 to vector<64x128xf32>
      %swap3A_377 = arith.constant 0 : index
      %swap3A_378 = arith.constant 0 : index
      %swap3A_379 = vector.load %arg3[%swap3A_377, %swap3A_378] : memref<64x128xf32, #tpu.memory_space<vmem>>, vector<64x128xf32>
      tpu.vector_store %arg3[%swap3A_377, %swap3A_378], %broadcast_in_dim3A_376 {strides = array<i32>} : memref<64x128xf32, #tpu.memory_space<vmem>>, vector<64x128xf32>,
      %broadcast_in_dim3A_380 = arith.constant 0 : i32
      %broadcast_in_dim3A_381 = vector.broadcast %broadcast_in_dim3A_380 : i32 to vector<64x128xi32>
      %swap3A_382 = arith.constant 0 : index
      %swap3A_383 = arith.constant 0 : index
      %swap3A_384 = vector.load %arg4[%swap3A_382, %swap3A_383] : memref<64x128xi32, #tpu.memory_space<vmem>>, vector<64x128xi32>
      tpu.vector_store %arg4[%swap3A_382, %swap3A_383], %broadcast_in_dim3A_381 {strides = array<i32>} : memref<64x128xi32, #tpu.memory_space<vmem>>, vector<64x128xi32>,
      %broadcast_in_dim3A_385 = arith.constant 0xFF800000 : f32
      %broadcast_in_dim3A_386 = vector.broadcast %broadcast_in_dim3A_385 : f32 to vector<64x128xf32>
      %swap3A_387 = arith.constant 0 : index
      %swap3A_388 = arith.constant 0 : index
      %swap3A_389 = vector.load %arg5[%swap3A_387, %swap3A_388] : memref<64x128xf32, #tpu.memory_space<vmem>>, vector<64x128xf32>
      tpu.vector_store %arg5[%swap3A_387, %swap3A_388], %broadcast_in_dim3A_386 {strides = array<i32>} : memref<64x128xf32, #tpu.memory_space<vmem>>, vector<64x128xf32>,
      %broadcast_in_dim3A_390 = arith.constant 0 : i32
      %broadcast_in_dim3A_391 = vector.broadcast %broadcast_in_dim3A_390 : i32 to vector<64x128xi32>
      %swap3A_392 = arith.constant 0 : index
      %swap3A_393 = arith.constant 0 : index
      %swap3A_394 = vector.load %arg6[%swap3A_392, %swap3A_393] : memref<64x128xi32, #tpu.memory_space<vmem>>, vector<64x128xi32>
      tpu.vector_store %arg6[%swap3A_392, %swap3A_393], %broadcast_in_dim3A_391 {strides = array<i32>} : memref<64x128xi32, #tpu.memory_space<vmem>>, vector<64x128xi32>,
    } else {
    }
    %get3A = arith.constant 0 : index
    %get3A_2 = arith.constant 0 : index
    %get3A_3 = vector.load %arg3[%get3A, %get3A_2] : memref<64x128xf32, #tpu.memory_space<vmem>>, vector<64x128xf32>
    %get3A_4 = arith.constant 0 : index
    %get3A_5 = arith.constant 0 : index
    %get3A_6 = vector.load %arg4[%get3A_4, %get3A_5] : memref<64x128xi32, #tpu.memory_space<vmem>>, vector<64x128xi32>
    %get3A_7 = arith.constant 0 : index
    %get3A_8 = arith.constant 0 : index
    %get3A_9 = vector.load %arg5[%get3A_7, %get3A_8] : memref<64x128xf32, #tpu.memory_space<vmem>>, vector<64x128xf32>
    %get3A_10 = arith.constant 0 : index
    %get3A_11 = arith.constant 0 : index
    %get3A_12 = vector.load %arg6[%get3A_10, %get3A_11] : memref<64x128xi32, #tpu.memory_space<vmem>>, vector<64x128xi32>
    %get3A_13 = arith.constant 0 : index
    %get3A_14 = arith.constant 0 : index
    %get3A_15 = vector.load %arg1[%get3A_13, %get3A_14] : memref<64x4096xf32, #tpu.memory_space<vmem>>, vector<64x128xf32>
    %mul3A = arith.constant 32 : i32
    %mul3A_16 = arith.muli %arg0, %mul3A : i32
    %add3A = arith.constant 0 : i32
    %add3A_17 = arith.addi %mul3A_16, %add3A : i32
    %gt3A = arith.cmpf ogt, %get3A_15, %get3A_3 : vector<64x128xf32>
    %max3A = arith.maximumf %get3A_3, %get3A_15 : vector<64x128xf32>
    %broadcast_in_dim3A = vector.broadcast %add3A_17 : i32 to vector<64x128xi32>
    %select_n3A = arith.select %gt3A, %broadcast_in_dim3A, %get3A_6 : vector<64x128xi1>, vector<64x128xi32>
    %get3A_18 = arith.constant 0 : index
    %get3A_19 = arith.constant 128 : index
    %get3A_20 = vector.load %arg1[%get3A_18, %get3A_19] : memref<64x4096xf32, #tpu.memory_space<vmem>>, vector<64x128xf32>
    %mul3A_21 = arith.constant 32 : i32
    %mul3A_22 = arith.muli %arg0, %mul3A_21 : i32
    %add3A_23 = arith.constant 1 : i32
    %add3A_24 = arith.addi %mul3A_22, %add3A_23 : i32
    %gt3A_25 = arith.cmpf ogt, %get3A_20, %get3A_9 : vector<64x128xf32>
    %max3A_26 = arith.maximumf %get3A_9, %get3A_20 : vector<64x128xf32>
    %broadcast_in_dim3A_27 = vector.broadcast %add3A_24 : i32 to vector<64x128xi32>
    %select_n3A_28 = arith.select %gt3A_25, %broadcast_in_dim3A_27, %get3A_12 : vector<64x128xi1>, vector<64x128xi32>
    %get3A_29 = arith.constant 0 : index
    %get3A_30 = arith.constant 256 : index
    %get3A_31 = vector.load %arg1[%get3A_29, %get3A_30] : memref<64x4096xf32, #tpu.memory_space<vmem>>, vector<64x128xf32>
    %mul3A_32 = arith.constant 32 : i32
    %mul3A_33 = arith.muli %arg0, %mul3A_32 : i32
    %add3A_34 = arith.constant 2 : i32
    %add3A_35 = arith.addi %mul3A_33, %add3A_34 : i32
    %gt3A_36 = arith.cmpf ogt, %get3A_31, %max3A : vector<64x128xf32>
    %max3A_37 = arith.maximumf %max3A, %get3A_31 : vector<64x128xf32>
    %broadcast_in_dim3A_38 = vector.broadcast %add3A_35 : i32 to vector<64x128xi32>
    %select_n3A_39 = arith.select %gt3A_36, %broadcast_in_dim3A_38, %select_n3A : vector<64x128xi1>, vector<64x128xi32>
    %get3A_40 = arith.constant 0 : index
    %get3A_41 = arith.constant 384 : index
    %get3A_42 = vector.load %arg1[%get3A_40, %get3A_41] : memref<64x4096xf32, #tpu.memory_space<vmem>>, vector<64x128xf32>
    %mul3A_43 = arith.constant 32 : i32
    %mul3A_44 = arith.muli %arg0, %mul3A_43 : i32
    %add3A_45 = arith.constant 3 : i32
    %add3A_46 = arith.addi %mul3A_44, %add3A_45 : i32
    %gt3A_47 = arith.cmpf ogt, %get3A_42, %max3A_26 : vector<64x128xf32>
    %max3A_48 = arith.maximumf %max3A_26, %get3A_42 : vector<64x128xf32>
    %broadcast_in_dim3A_49 = vector.broadcast %add3A_46 : i32 to vector<64x128xi32>
    %select_n3A_50 = arith.select %gt3A_47, %broadcast_in_dim3A_49, %select_n3A_28 : vector<64x128xi1>, vector<64x128xi32>
    %get3A_51 = arith.constant 0 : index
    %get3A_52 = arith.constant 512 : index
    %get3A_53 = vector.load %arg1[%get3A_51, %get3A_52] : memref<64x4096xf32, #tpu.memory_space<vmem>>, vector<64x128xf32>
    %mul3A_54 = arith.constant 32 : i32
    %mul3A_55 = arith.muli %arg0, %mul3A_54 : i32
    %add3A_56 = arith.constant 4 : i32
    %add3A_57 = arith.addi %mul3A_55, %add3A_56 : i32
    %gt3A_58 = arith.cmpf ogt, %get3A_53, %max3A_37 : vector<64x128xf32>
    %max3A_59 = arith.maximumf %max3A_37, %get3A_53 : vector<64x128xf32>
    %broadcast_in_dim3A_60 = vector.broadcast %add3A_57 : i32 to vector<64x128xi32>
    %select_n3A_61 = arith.select %gt3A_58, %broadcast_in_dim3A_60, %select_n3A_39 : vector<64x128xi1>, vector<64x128xi32>
    %get3A_62 = arith.constant 0 : index
    %get3A_63 = arith.constant 640 : index
    %get3A_64 = vector.load %arg1[%get3A_62, %get3A_63] : memref<64x4096xf32, #tpu.memory_space<vmem>>, vector<64x128xf32>
    %mul3A_65 = arith.constant 32 : i32
    %mul3A_66 = arith.muli %arg0, %mul3A_65 : i32
    %add3A_67 = arith.constant 5 : i32
    %add3A_68 = arith.addi %mul3A_66, %add3A_67 : i32
    %gt3A_69 = arith.cmpf ogt, %get3A_64, %max3A_48 : vector<64x128xf32>
    %max3A_70 = arith.maximumf %max3A_48, %get3A_64 : vector<64x128xf32>
    %broadcast_in_dim3A_71 = vector.broadcast %add3A_68 : i32 to vector<64x128xi32>
    %select_n3A_72 = arith.select %gt3A_69, %broadcast_in_dim3A_71, %select_n3A_50 : vector<64x128xi1>, vector<64x128xi32>
    %get3A_73 = arith.constant 0 : index
    %get3A_74 = arith.constant 768 : index
    %get3A_75 = vector.load %arg1[%get3A_73, %get3A_74] : memref<64x4096xf32, #tpu.memory_space<vmem>>, vector<64x128xf32>
    %mul3A_76 = arith.constant 32 : i32
    %mul3A_77 = arith.muli %arg0, %mul3A_76 : i32
    %add3A_78 = arith.constant 6 : i32
    %add3A_79 = arith.addi %mul3A_77, %add3A_78 : i32
    %gt3A_80 = arith.cmpf ogt, %get3A_75, %max3A_59 : vector<64x128xf32>
    %max3A_81 = arith.maximumf %max3A_59, %get3A_75 : vector<64x128xf32>
    %broadcast_in_dim3A_82 = vector.broadcast %add3A_79 : i32 to vector<64x128xi32>
    %select_n3A_83 = arith.select %gt3A_80, %broadcast_in_dim3A_82, %select_n3A_61 : vector<64x128xi1>, vector<64x128xi32>
    %get3A_84 = arith.constant 0 : index
    %get3A_85 = arith.constant 896 : index
    %get3A_86 = vector.load %arg1[%get3A_84, %get3A_85] : memref<64x4096xf32, #tpu.memory_space<vmem>>, vector<64x128xf32>
    %mul3A_87 = arith.constant 32 : i32
    %mul3A_88 = arith.muli %arg0, %mul3A_87 : i32
    %add3A_89 = arith.constant 7 : i32
    %add3A_90 = arith.addi %mul3A_88, %add3A_89 : i32
    %gt3A_91 = arith.cmpf ogt, %get3A_86, %max3A_70 : vector<64x128xf32>
    %max3A_92 = arith.maximumf %max3A_70, %get3A_86 : vector<64x128xf32>
    %broadcast_in_dim3A_93 = vector.broadcast %add3A_90 : i32 to vector<64x128xi32>
    %select_n3A_94 = arith.select %gt3A_91, %broadcast_in_dim3A_93, %select_n3A_72 : vector<64x128xi1>, vector<64x128xi32>
    %get3A_95 = arith.constant 0 : index
    %get3A_96 = arith.constant 1024 : index
    %get3A_97 = vector.load %arg1[%get3A_95, %get3A_96] : memref<64x4096xf32, #tpu.memory_space<vmem>>, vector<64x128xf32>
    %mul3A_98 = arith.constant 32 : i32
    %mul3A_99 = arith.muli %arg0, %mul3A_98 : i32
    %add3A_100 = arith.constant 8 : i32
    %add3A_101 = arith.addi %mul3A_99, %add3A_100 : i32
    %gt3A_102 = arith.cmpf ogt, %get3A_97, %max3A_81 : vector<64x128xf32>
    %max3A_103 = arith.maximumf %max3A_81, %get3A_97 : vector<64x128xf32>
    %broadcast_in_dim3A_104 = vector.broadcast %add3A_101 : i32 to vector<64x128xi32>
    %select_n3A_105 = arith.select %gt3A_102, %broadcast_in_dim3A_104, %select_n3A_83 : vector<64x128xi1>, vector<64x128xi32>
    %get3A_106 = arith.constant 0 : index
    %get3A_107 = arith.constant 1152 : index
    %get3A_108 = vector.load %arg1[%get3A_106, %get3A_107] : memref<64x4096xf32, #tpu.memory_space<vmem>>, vector<64x128xf32>
    %mul3A_109 = arith.constant 32 : i32
    %mul3A_110 = arith.muli %arg0, %mul3A_109 : i32
    %add3A_111 = arith.constant 9 : i32
    %add3A_112 = arith.addi %mul3A_110, %add3A_111 : i32
    %gt3A_113 = arith.cmpf ogt, %get3A_108, %max3A_92 : vector<64x128xf32>
    %max3A_114 = arith.maximumf %max3A_92, %get3A_108 : vector<64x128xf32>
    %broadcast_in_dim3A_115 = vector.broadcast %add3A_112 : i32 to vector<64x128xi32>
    %select_n3A_116 = arith.select %gt3A_113, %broadcast_in_dim3A_115, %select_n3A_94 : vector<64x128xi1>, vector<64x128xi32>
    %get3A_117 = arith.constant 0 : index
    %get3A_118 = arith.constant 1280 : index
    %get3A_119 = vector.load %arg1[%get3A_117, %get3A_118] : memref<64x4096xf32, #tpu.memory_space<vmem>>, vector<64x128xf32>
    %mul3A_120 = arith.constant 32 : i32
    %mul3A_121 = arith.muli %arg0, %mul3A_120 : i32
    %add3A_122 = arith.constant 10 : i32
    %add3A_123 = arith.addi %mul3A_121, %add3A_122 : i32
    %gt3A_124 = arith.cmpf ogt, %get3A_119, %max3A_103 : vector<64x128xf32>
    %max3A_125 = arith.maximumf %max3A_103, %get3A_119 : vector<64x128xf32>
    %broadcast_in_dim3A_126 = vector.broadcast %add3A_123 : i32 to vector<64x128xi32>
    %select_n3A_127 = arith.select %gt3A_124, %broadcast_in_dim3A_126, %select_n3A_105 : vector<64x128xi1>, vector<64x128xi32>
    %get3A_128 = arith.constant 0 : index
    %get3A_129 = arith.constant 1408 : index
    %get3A_130 = vector.load %arg1[%get3A_128, %get3A_129] : memref<64x4096xf32, #tpu.memory_space<vmem>>, vector<64x128xf32>
    %mul3A_131 = arith.constant 32 : i32
    %mul3A_132 = arith.muli %arg0, %mul3A_131 : i32
    %add3A_133 = arith.constant 11 : i32
    %add3A_134 = arith.addi %mul3A_132, %add3A_133 : i32
    %gt3A_135 = arith.cmpf ogt, %get3A_130, %max3A_114 : vector<64x128xf32>
    %max3A_136 = arith.maximumf %max3A_114, %get3A_130 : vector<64x128xf32>
    %broadcast_in_dim3A_137 = vector.broadcast %add3A_134 : i32 to vector<64x128xi32>
    %select_n3A_138 = arith.select %gt3A_135, %broadcast_in_dim3A_137, %select_n3A_116 : vector<64x128xi1>, vector<64x128xi32>
    %get3A_139 = arith.constant 0 : index
    %get3A_140 = arith.constant 1536 : index
    %get3A_141 = vector.load %arg1[%get3A_139, %get3A_140] : memref<64x4096xf32, #tpu.memory_space<vmem>>, vector<64x128xf32>
    %mul3A_142 = arith.constant 32 : i32
    %mul3A_143 = arith.muli %arg0, %mul3A_142 : i32
    %add3A_144 = arith.constant 12 : i32
    %add3A_145 = arith.addi %mul3A_143, %add3A_144 : i32
    %gt3A_146 = arith.cmpf ogt, %get3A_141, %max3A_125 : vector<64x128xf32>
    %max3A_147 = arith.maximumf %max3A_125, %get3A_141 : vector<64x128xf32>
    %broadcast_in_dim3A_148 = vector.broadcast %add3A_145 : i32 to vector<64x128xi32>
    %select_n3A_149 = arith.select %gt3A_146, %broadcast_in_dim3A_148, %select_n3A_127 : vector<64x128xi1>, vector<64x128xi32>
    %get3A_150 = arith.constant 0 : index
    %get3A_151 = arith.constant 1664 : index
    %get3A_152 = vector.load %arg1[%get3A_150, %get3A_151] : memref<64x4096xf32, #tpu.memory_space<vmem>>, vector<64x128xf32>
    %mul3A_153 = arith.constant 32 : i32
    %mul3A_154 = arith.muli %arg0, %mul3A_153 : i32
    %add3A_155 = arith.constant 13 : i32
    %add3A_156 = arith.addi %mul3A_154, %add3A_155 : i32
    %gt3A_157 = arith.cmpf ogt, %get3A_152, %max3A_136 : vector<64x128xf32>
    %max3A_158 = arith.maximumf %max3A_136, %get3A_152 : vector<64x128xf32>
    %broadcast_in_dim3A_159 = vector.broadcast %add3A_156 : i32 to vector<64x128xi32>
    %select_n3A_160 = arith.select %gt3A_157, %broadcast_in_dim3A_159, %select_n3A_138 : vector<64x128xi1>, vector<64x128xi32>
    %get3A_161 = arith.constant 0 : index
    %get3A_162 = arith.constant 1792 : index
    %get3A_163 = vector.load %arg1[%get3A_161, %get3A_162] : memref<64x4096xf32, #tpu.memory_space<vmem>>, vector<64x128xf32>
    %mul3A_164 = arith.constant 32 : i32
    %mul3A_165 = arith.muli %arg0, %mul3A_164 : i32
    %add3A_166 = arith.constant 14 : i32
    %add3A_167 = arith.addi %mul3A_165, %add3A_166 : i32
    %gt3A_168 = arith.cmpf ogt, %get3A_163, %max3A_147 : vector<64x128xf32>
    %max3A_169 = arith.maximumf %max3A_147, %get3A_163 : vector<64x128xf32>
    %broadcast_in_dim3A_170 = vector.broadcast %add3A_167 : i32 to vector<64x128xi32>
    %select_n3A_171 = arith.select %gt3A_168, %broadcast_in_dim3A_170, %select_n3A_149 : vector<64x128xi1>, vector<64x128xi32>
    %get3A_172 = arith.constant 0 : index
    %get3A_173 = arith.constant 1920 : index
    %get3A_174 = vector.load %arg1[%get3A_172, %get3A_173] : memref<64x4096xf32, #tpu.memory_space<vmem>>, vector<64x128xf32>
    %mul3A_175 = arith.constant 32 : i32
    %mul3A_176 = arith.muli %arg0, %mul3A_175 : i32
    %add3A_177 = arith.constant 15 : i32
    %add3A_178 = arith.addi %mul3A_176, %add3A_177 : i32
    %gt3A_179 = arith.cmpf ogt, %get3A_174, %max3A_158 : vector<64x128xf32>
    %max3A_180 = arith.maximumf %max3A_158, %get3A_174 : vector<64x128xf32>
    %broadcast_in_dim3A_181 = vector.broadcast %add3A_178 : i32 to vector<64x128xi32>
    %select_n3A_182 = arith.select %gt3A_179, %broadcast_in_dim3A_181, %select_n3A_160 : vector<64x128xi1>, vector<64x128xi32>
    %get3A_183 = arith.constant 0 : index
    %get3A_184 = arith.constant 2048 : index
    %get3A_185 = vector.load %arg1[%get3A_183, %get3A_184] : memref<64x4096xf32, #tpu.memory_space<vmem>>, vector<64x128xf32>
    %mul3A_186 = arith.constant 32 : i32
    %mul3A_187 = arith.muli %arg0, %mul3A_186 : i32
    %add3A_188 = arith.constant 16 : i32
    %add3A_189 = arith.addi %mul3A_187, %add3A_188 : i32
    %gt3A_190 = arith.cmpf ogt, %get3A_185, %max3A_169 : vector<64x128xf32>
    %max3A_191 = arith.maximumf %max3A_169, %get3A_185 : vector<64x128xf32>
    %broadcast_in_dim3A_192 = vector.broadcast %add3A_189 : i32 to vector<64x128xi32>
    %select_n3A_193 = arith.select %gt3A_190, %broadcast_in_dim3A_192, %select_n3A_171 : vector<64x128xi1>, vector<64x128xi32>
    %get3A_194 = arith.constant 0 : index
    %get3A_195 = arith.constant 2176 : index
    %get3A_196 = vector.load %arg1[%get3A_194, %get3A_195] : memref<64x4096xf32, #tpu.memory_space<vmem>>, vector<64x128xf32>
    %mul3A_197 = arith.constant 32 : i32
    %mul3A_198 = arith.muli %arg0, %mul3A_197 : i32
    %add3A_199 = arith.constant 17 : i32
    %add3A_200 = arith.addi %mul3A_198, %add3A_199 : i32
    %gt3A_201 = arith.cmpf ogt, %get3A_196, %max3A_180 : vector<64x128xf32>
    %max3A_202 = arith.maximumf %max3A_180, %get3A_196 : vector<64x128xf32>
    %broadcast_in_dim3A_203 = vector.broadcast %add3A_200 : i32 to vector<64x128xi32>
    %select_n3A_204 = arith.select %gt3A_201, %broadcast_in_dim3A_203, %select_n3A_182 : vector<64x128xi1>, vector<64x128xi32>
    %get3A_205 = arith.constant 0 : index
    %get3A_206 = arith.constant 2304 : index
    %get3A_207 = vector.load %arg1[%get3A_205, %get3A_206] : memref<64x4096xf32, #tpu.memory_space<vmem>>, vector<64x128xf32>
    %mul3A_208 = arith.constant 32 : i32
    %mul3A_209 = arith.muli %arg0, %mul3A_208 : i32
    %add3A_210 = arith.constant 18 : i32
    %add3A_211 = arith.addi %mul3A_209, %add3A_210 : i32
    %gt3A_212 = arith.cmpf ogt, %get3A_207, %max3A_191 : vector<64x128xf32>
    %max3A_213 = arith.maximumf %max3A_191, %get3A_207 : vector<64x128xf32>
    %broadcast_in_dim3A_214 = vector.broadcast %add3A_211 : i32 to vector<64x128xi32>
    %select_n3A_215 = arith.select %gt3A_212, %broadcast_in_dim3A_214, %select_n3A_193 : vector<64x128xi1>, vector<64x128xi32>
    %get3A_216 = arith.constant 0 : index
    %get3A_217 = arith.constant 2432 : index
    %get3A_218 = vector.load %arg1[%get3A_216, %get3A_217] : memref<64x4096xf32, #tpu.memory_space<vmem>>, vector<64x128xf32>
    %mul3A_219 = arith.constant 32 : i32
    %mul3A_220 = arith.muli %arg0, %mul3A_219 : i32
    %add3A_221 = arith.constant 19 : i32
    %add3A_222 = arith.addi %mul3A_220, %add3A_221 : i32
    %gt3A_223 = arith.cmpf ogt, %get3A_218, %max3A_202 : vector<64x128xf32>
    %max3A_224 = arith.maximumf %max3A_202, %get3A_218 : vector<64x128xf32>
    %broadcast_in_dim3A_225 = vector.broadcast %add3A_222 : i32 to vector<64x128xi32>
    %select_n3A_226 = arith.select %gt3A_223, %broadcast_in_dim3A_225, %select_n3A_204 : vector<64x128xi1>, vector<64x128xi32>
    %get3A_227 = arith.constant 0 : index
    %get3A_228 = arith.constant 2560 : index
    %get3A_229 = vector.load %arg1[%get3A_227, %get3A_228] : memref<64x4096xf32, #tpu.memory_space<vmem>>, vector<64x128xf32>
    %mul3A_230 = arith.constant 32 : i32
    %mul3A_231 = arith.muli %arg0, %mul3A_230 : i32
    %add3A_232 = arith.constant 20 : i32
    %add3A_233 = arith.addi %mul3A_231, %add3A_232 : i32
    %gt3A_234 = arith.cmpf ogt, %get3A_229, %max3A_213 : vector<64x128xf32>
    %max3A_235 = arith.maximumf %max3A_213, %get3A_229 : vector<64x128xf32>
    %broadcast_in_dim3A_236 = vector.broadcast %add3A_233 : i32 to vector<64x128xi32>
    %select_n3A_237 = arith.select %gt3A_234, %broadcast_in_dim3A_236, %select_n3A_215 : vector<64x128xi1>, vector<64x128xi32>
    %get3A_238 = arith.constant 0 : index
    %get3A_239 = arith.constant 2688 : index
    %get3A_240 = vector.load %arg1[%get3A_238, %get3A_239] : memref<64x4096xf32, #tpu.memory_space<vmem>>, vector<64x128xf32>
    %mul3A_241 = arith.constant 32 : i32
    %mul3A_242 = arith.muli %arg0, %mul3A_241 : i32
    %add3A_243 = arith.constant 21 : i32
    %add3A_244 = arith.addi %mul3A_242, %add3A_243 : i32
    %gt3A_245 = arith.cmpf ogt, %get3A_240, %max3A_224 : vector<64x128xf32>
    %max3A_246 = arith.maximumf %max3A_224, %get3A_240 : vector<64x128xf32>
    %broadcast_in_dim3A_247 = vector.broadcast %add3A_244 : i32 to vector<64x128xi32>
    %select_n3A_248 = arith.select %gt3A_245, %broadcast_in_dim3A_247, %select_n3A_226 : vector<64x128xi1>, vector<64x128xi32>
    %get3A_249 = arith.constant 0 : index
    %get3A_250 = arith.constant 2816 : index
    %get3A_251 = vector.load %arg1[%get3A_249, %get3A_250] : memref<64x4096xf32, #tpu.memory_space<vmem>>, vector<64x128xf32>
    %mul3A_252 = arith.constant 32 : i32
    %mul3A_253 = arith.muli %arg0, %mul3A_252 : i32
    %add3A_254 = arith.constant 22 : i32
    %add3A_255 = arith.addi %mul3A_253, %add3A_254 : i32
    %gt3A_256 = arith.cmpf ogt, %get3A_251, %max3A_235 : vector<64x128xf32>
    %max3A_257 = arith.maximumf %max3A_235, %get3A_251 : vector<64x128xf32>
    %broadcast_in_dim3A_258 = vector.broadcast %add3A_255 : i32 to vector<64x128xi32>
    %select_n3A_259 = arith.select %gt3A_256, %broadcast_in_dim3A_258, %select_n3A_237 : vector<64x128xi1>, vector<64x128xi32>
    %get3A_260 = arith.constant 0 : index
    %get3A_261 = arith.constant 2944 : index
    %get3A_262 = vector.load %arg1[%get3A_260, %get3A_261] : memref<64x4096xf32, #tpu.memory_space<vmem>>, vector<64x128xf32>
    %mul3A_263 = arith.constant 32 : i32
    %mul3A_264 = arith.muli %arg0, %mul3A_263 : i32
    %add3A_265 = arith.constant 23 : i32
    %add3A_266 = arith.addi %mul3A_264, %add3A_265 : i32
    %gt3A_267 = arith.cmpf ogt, %get3A_262, %max3A_246 : vector<64x128xf32>
    %max3A_268 = arith.maximumf %max3A_246, %get3A_262 : vector<64x128xf32>
    %broadcast_in_dim3A_269 = vector.broadcast %add3A_266 : i32 to vector<64x128xi32>
    %select_n3A_270 = arith.select %gt3A_267, %broadcast_in_dim3A_269, %select_n3A_248 : vector<64x128xi1>, vector<64x128xi32>
    %get3A_271 = arith.constant 0 : index
    %get3A_272 = arith.constant 3072 : index
    %get3A_273 = vector.load %arg1[%get3A_271, %get3A_272] : memref<64x4096xf32, #tpu.memory_space<vmem>>, vector<64x128xf32>
    %mul3A_274 = arith.constant 32 : i32
    %mul3A_275 = arith.muli %arg0, %mul3A_274 : i32
    %add3A_276 = arith.constant 24 : i32
    %add3A_277 = arith.addi %mul3A_275, %add3A_276 : i32
    %gt3A_278 = arith.cmpf ogt, %get3A_273, %max3A_257 : vector<64x128xf32>
    %max3A_279 = arith.maximumf %max3A_257, %get3A_273 : vector<64x128xf32>
    %broadcast_in_dim3A_280 = vector.broadcast %add3A_277 : i32 to vector<64x128xi32>
    %select_n3A_281 = arith.select %gt3A_278, %broadcast_in_dim3A_280, %select_n3A_259 : vector<64x128xi1>, vector<64x128xi32>
    %get3A_282 = arith.constant 0 : index
    %get3A_283 = arith.constant 3200 : index
    %get3A_284 = vector.load %arg1[%get3A_282, %get3A_283] : memref<64x4096xf32, #tpu.memory_space<vmem>>, vector<64x128xf32>
    %mul3A_285 = arith.constant 32 : i32
    %mul3A_286 = arith.muli %arg0, %mul3A_285 : i32
    %add3A_287 = arith.constant 25 : i32
    %add3A_288 = arith.addi %mul3A_286, %add3A_287 : i32
    %gt3A_289 = arith.cmpf ogt, %get3A_284, %max3A_268 : vector<64x128xf32>
    %max3A_290 = arith.maximumf %max3A_268, %get3A_284 : vector<64x128xf32>
    %broadcast_in_dim3A_291 = vector.broadcast %add3A_288 : i32 to vector<64x128xi32>
    %select_n3A_292 = arith.select %gt3A_289, %broadcast_in_dim3A_291, %select_n3A_270 : vector<64x128xi1>, vector<64x128xi32>
    %get3A_293 = arith.constant 0 : index
    %get3A_294 = arith.constant 3328 : index
    %get3A_295 = vector.load %arg1[%get3A_293, %get3A_294] : memref<64x4096xf32, #tpu.memory_space<vmem>>, vector<64x128xf32>
    %mul3A_296 = arith.constant 32 : i32
    %mul3A_297 = arith.muli %arg0, %mul3A_296 : i32
    %add3A_298 = arith.constant 26 : i32
    %add3A_299 = arith.addi %mul3A_297, %add3A_298 : i32
    %gt3A_300 = arith.cmpf ogt, %get3A_295, %max3A_279 : vector<64x128xf32>
    %max3A_301 = arith.maximumf %max3A_279, %get3A_295 : vector<64x128xf32>
    %broadcast_in_dim3A_302 = vector.broadcast %add3A_299 : i32 to vector<64x128xi32>
    %select_n3A_303 = arith.select %gt3A_300, %broadcast_in_dim3A_302, %select_n3A_281 : vector<64x128xi1>, vector<64x128xi32>
    %get3A_304 = arith.constant 0 : index
    %get3A_305 = arith.constant 3456 : index
    %get3A_306 = vector.load %arg1[%get3A_304, %get3A_305] : memref<64x4096xf32, #tpu.memory_space<vmem>>, vector<64x128xf32>
    %mul3A_307 = arith.constant 32 : i32
    %mul3A_308 = arith.muli %arg0, %mul3A_307 : i32
    %add3A_309 = arith.constant 27 : i32
    %add3A_310 = arith.addi %mul3A_308, %add3A_309 : i32
    %gt3A_311 = arith.cmpf ogt, %get3A_306, %max3A_290 : vector<64x128xf32>
    %max3A_312 = arith.maximumf %max3A_290, %get3A_306 : vector<64x128xf32>
    %broadcast_in_dim3A_313 = vector.broadcast %add3A_310 : i32 to vector<64x128xi32>
    %select_n3A_314 = arith.select %gt3A_311, %broadcast_in_dim3A_313, %select_n3A_292 : vector<64x128xi1>, vector<64x128xi32>
    %get3A_315 = arith.constant 0 : index
    %get3A_316 = arith.constant 3584 : index
    %get3A_317 = vector.load %arg1[%get3A_315, %get3A_316] : memref<64x4096xf32, #tpu.memory_space<vmem>>, vector<64x128xf32>
    %mul3A_318 = arith.constant 32 : i32
    %mul3A_319 = arith.muli %arg0, %mul3A_318 : i32
    %add3A_320 = arith.constant 28 : i32
    %add3A_321 = arith.addi %mul3A_319, %add3A_320 : i32
    %gt3A_322 = arith.cmpf ogt, %get3A_317, %max3A_301 : vector<64x128xf32>
    %max3A_323 = arith.maximumf %max3A_301, %get3A_317 : vector<64x128xf32>
    %broadcast_in_dim3A_324 = vector.broadcast %add3A_321 : i32 to vector<64x128xi32>
    %select_n3A_325 = arith.select %gt3A_322, %broadcast_in_dim3A_324, %select_n3A_303 : vector<64x128xi1>, vector<64x128xi32>
    %get3A_326 = arith.constant 0 : index
    %get3A_327 = arith.constant 3712 : index
    %get3A_328 = vector.load %arg1[%get3A_326, %get3A_327] : memref<64x4096xf32, #tpu.memory_space<vmem>>, vector<64x128xf32>
    %mul3A_329 = arith.constant 32 : i32
    %mul3A_330 = arith.muli %arg0, %mul3A_329 : i32
    %add3A_331 = arith.constant 29 : i32
    %add3A_332 = arith.addi %mul3A_330, %add3A_331 : i32
    %gt3A_333 = arith.cmpf ogt, %get3A_328, %max3A_312 : vector<64x128xf32>
    %max3A_334 = arith.maximumf %max3A_312, %get3A_328 : vector<64x128xf32>
    %broadcast_in_dim3A_335 = vector.broadcast %add3A_332 : i32 to vector<64x128xi32>
    %select_n3A_336 = arith.select %gt3A_333, %broadcast_in_dim3A_335, %select_n3A_314 : vector<64x128xi1>, vector<64x128xi32>
    %get3A_337 = arith.constant 0 : index
    %get3A_338 = arith.constant 3840 : index
    %get3A_339 = vector.load %arg1[%get3A_337, %get3A_338] : memref<64x4096xf32, #tpu.memory_space<vmem>>, vector<64x128xf32>
    %mul3A_340 = arith.constant 32 : i32
    %mul3A_341 = arith.muli %arg0, %mul3A_340 : i32
    %add3A_342 = arith.constant 30 : i32
    %add3A_343 = arith.addi %mul3A_341, %add3A_342 : i32
    %gt3A_344 = arith.cmpf ogt, %get3A_339, %max3A_323 : vector<64x128xf32>
    %max3A_345 = arith.maximumf %max3A_323, %get3A_339 : vector<64x128xf32>
    %broadcast_in_dim3A_346 = vector.broadcast %add3A_343 : i32 to vector<64x128xi32>
    %select_n3A_347 = arith.select %gt3A_344, %broadcast_in_dim3A_346, %select_n3A_325 : vector<64x128xi1>, vector<64x128xi32>
    %get3A_348 = arith.constant 0 : index
    %get3A_349 = arith.constant 3968 : index
    %get3A_350 = vector.load %arg1[%get3A_348, %get3A_349] : memref<64x4096xf32, #tpu.memory_space<vmem>>, vector<64x128xf32>
    %mul3A_351 = arith.constant 32 : i32
    %mul3A_352 = arith.muli %arg0, %mul3A_351 : i32
    %add3A_353 = arith.constant 31 : i32
    %add3A_354 = arith.addi %mul3A_352, %add3A_353 : i32
    %gt3A_355 = arith.cmpf ogt, %get3A_350, %max3A_334 : vector<64x128xf32>
    %max3A_356 = arith.maximumf %max3A_334, %get3A_350 : vector<64x128xf32>
    %broadcast_in_dim3A_357 = vector.broadcast %add3A_354 : i32 to vector<64x128xi32>
    %select_n3A_358 = arith.select %gt3A_355, %broadcast_in_dim3A_357, %select_n3A_336 : vector<64x128xi1>, vector<64x128xi32>
    %swap3A = arith.constant 0 : index
    %swap3A_359 = arith.constant 0 : index
    %swap3A_360 = vector.load %arg3[%swap3A, %swap3A_359] : memref<64x128xf32, #tpu.memory_space<vmem>>, vector<64x128xf32>
    tpu.vector_store %arg3[%swap3A, %swap3A_359], %max3A_345 {strides = array<i32>} : memref<64x128xf32, #tpu.memory_space<vmem>>, vector<64x128xf32>,
    %swap3A_361 = arith.constant 0 : index
    %swap3A_362 = arith.constant 0 : index
    %swap3A_363 = vector.load %arg4[%swap3A_361, %swap3A_362] : memref<64x128xi32, #tpu.memory_space<vmem>>, vector<64x128xi32>
    tpu.vector_store %arg4[%swap3A_361, %swap3A_362], %select_n3A_347 {strides = array<i32>} : memref<64x128xi32, #tpu.memory_space<vmem>>, vector<64x128xi32>,
    %swap3A_364 = arith.constant 0 : index
    %swap3A_365 = arith.constant 0 : index
    %swap3A_366 = vector.load %arg5[%swap3A_364, %swap3A_365] : memref<64x128xf32, #tpu.memory_space<vmem>>, vector<64x128xf32>
    tpu.vector_store %arg5[%swap3A_364, %swap3A_365], %max3A_356 {strides = array<i32>} : memref<64x128xf32, #tpu.memory_space<vmem>>, vector<64x128xf32>,
    %swap3A_367 = arith.constant 0 : index
    %swap3A_368 = arith.constant 0 : index
    %swap3A_369 = vector.load %arg6[%swap3A_367, %swap3A_368] : memref<64x128xi32, #tpu.memory_space<vmem>>, vector<64x128xi32>
    tpu.vector_store %arg6[%swap3A_367, %swap3A_368], %select_n3A_358 {strides = array<i32>} : memref<64x128xi32, #tpu.memory_space<vmem>>, vector<64x128xi32>,
    %eq3A_370 = arith.constant 7 : i32
    %eq3A_371 = arith.cmpi eq, %arg0, %eq3A_370 : i32
    %convert_element_type3A_372 = arith.extui %eq3A_371 : i1 to i32
    %cond3A_373 = arith.constant 0 : i32
    %cond3A_374 = arith.cmpi ne, %convert_element_type3A_372, %cond3A_373 : i32
    scf.if %cond3A_374 {
      %gt3A_375 = arith.cmpf ogt, %max3A_356, %max3A_345 : vector<64x128xf32>
      %eq3A_376 = arith.cmpf oeq, %max3A_356, %max3A_345 : vector<64x128xf32>
      %lt3A = arith.cmpi slt, %select_n3A_358, %select_n3A_347 : vector<64x128xi32>
      %and3A = arith.andi %eq3A_376, %lt3A : vector<64x128xi1>
      %or3A = arith.ori %gt3A_375, %and3A : vector<64x128xi1>
      %select_n3A_377 = arith.select %or3A, %max3A_356, %max3A_345 : vector<64x128xi1>, vector<64x128xf32>
      %select_n3A_378 = arith.select %or3A, %select_n3A_358, %select_n3A_347 : vector<64x128xi1>, vector<64x128xi32>
      %iota3A = tpu.iota {dimensions = array<i32: 1>} : vector<64x128xi32>
      %mul3A_379 = arith.constant 128 : i32
      %mul3A_380 = vector.broadcast %mul3A_379 : i32 to vector<64x128xi32>
      %mul3A_381 = arith.muli %select_n3A_378, %mul3A_380 : vector<64x128xi32>
      %add3A_382 = arith.addi %mul3A_381, %iota3A : vector<64x128xi32>
      %reduce_max3A = arith.constant dense<0xFF800000> : vector<64xf32>
      %reduce_max3A_383 = vector.multi_reduction <maximumf>, %select_n3A_377, %reduce_max3A [1] : vector<64x128xf32> to vector<64xf32>
      %broadcast_in_dim3A_384 = vector.shape_cast %reduce_max3A_383 : vector<64xf32> to vector<64x1xf32>
      %eq3A_385 = vector.broadcast %broadcast_in_dim3A_384 : vector<64x1xf32> to vector<64x128xf32>
      %eq3A_386 = arith.cmpf oeq, %select_n3A_377, %eq3A_385 : vector<64x128xf32>
      %jit3A = arith.constant 1073741824 : i32
      %broadcast_in_dim3A_387 = vector.broadcast %jit3A : i32 to vector<64x128xi32>
      %select_n3A_388 = arith.select %eq3A_386, %add3A_382, %broadcast_in_dim3A_387 : vector<64x128xi1>, vector<64x128xi32>
      %reduce_min3A = arith.constant dense<2147483647> : vector<64xi32>
      %reduce_min3A_389 = vector.multi_reduction <minsi>, %select_n3A_388, %reduce_min3A [1] : vector<64x128xi32> to vector<64xi32>
      %broadcast_in_dim3A_390 = vector.shape_cast %reduce_min3A_389 : vector<64xi32> to vector<64x1xi32>
      %broadcast_in_dim3A_391 = arith.constant 0 : i32
      %broadcast_in_dim3A_392 = vector.broadcast %broadcast_in_dim3A_391 : i32 to vector<64x1xi32>
      %concatenate3A = tpu.concatenate %broadcast_in_dim3A_392, %broadcast_in_dim3A_390 in 0 : vector<64x1xi32>, vector<64x1xi32> -> vector<128x1xi32>
      %swap3A_393 = arith.constant 0 : index
      %swap3A_394 = arith.constant 0 : index
      %swap3A_395 = vector.load %arg2[%swap3A_393, %swap3A_394] : memref<128x1xi32, #tpu.memory_space<vmem>>, vector<128x1xi32>
      tpu.vector_store %arg2[%swap3A_393, %swap3A_394], %concatenate3A {strides = array<i32>} : memref<128x1xi32, #tpu.memory_space<vmem>>, vector<128x1xi32>,
    } else {
    }
    return
  }
  func.func @transform_0(%arg0: i32) -> (i32, i32) {
    %c1_i32 = arith.constant 1 : i32
    %c0_i32 = arith.constant 0 : i32
    return %c1_i32, %arg0 : i32, i32
  }
  func.func @transform_1(%arg0: i32) -> (i32, i32) {
    %c0_i32 = arith.constant 0 : i32
    %c0_i32_0 = arith.constant 0 : i32
    %c0_i32_1 = arith.constant 0 : i32
    return %c0_i32, %c0_i32_0 : i32, i32
  }
}

</mosaic_0001>

<sc_bundles>
// kernel: kernel.4.cloned.1.call-start
scs
__scs_entry_jumppad:
0x0: {  	(pc) =	sbr.rel $0x88, $3  }
0x1: {  	(tag) =	ssettag $0x0;
	lr =	simm.s32 $0x1  }
0x2: {  	[smem:$0x3FA0] =	sst lr;
	_ =	strace $0xD0000000  }
0x3: {  	_ = 	snop  }
0x4: {  	_ = 	snop  }
0x5: {  	_ = 	snop  }
0x6: {  	_ = 	snop  }
0x7: {  	_ = 	snop  }
__scs_overlays_trampoline_lowered:
0x8: {  	[smem:$0x3FAF] =	sst s0  }
0x9: {  	[smem:$0x3FB0] =	sst s1  }
0xa: {  	[smem:$0x3FB1] =	sst s2  }
0xb: {  	[smem:$0x3FB2] =	sst s3  }
0xc: {  	[smem:$0x3FB3] =	sst s4  }
0xd: {  	[smem:$0x3FB4] =	sst s5  }
0xe: {  	[smem:$0x3FB5] =	sst s6  }
0xf: {  	[smem:$0x3FB6] =	sst s7  }
0x10: {  	[smem:$0x3FB7] =	sst s8  }
0x11: {  	[smem:$0x3FB8] =	sst s9;
	s0 =	simm.s32 @!p0 $0x0  }
0x12: {  	s1 =	sld [smem:$0x3F9E];
	s0 =	simm.s32 @p0 $0x1  }
0x13: {  	[smem:$0x3FB9] =	sst s0;
	s0 =	simm.s32 @!p1 $0x0  }
0x14: {  	s2 =	sld [smem:$0x3F9D];
	s0 =	simm.s32 @p1 $0x1  }
0x15: {  	[smem:$0x3FBA] =	sst s0;
	s0 =	simm.s32 @!p2 $0x0  }
0x16: {  	s3 =	sld [smem:$0x3FDB];
	s0 =	simm.s32 @p2 $0x1  }
0x17: {  	s4 =	simm.s32 $0x1BF5;
	[smem:$0x3FBC] =	sst s0  }
0x18: {  	s0 =	sld [smem:$0x3F9F];
	_ =	swait.ge [sflag:s4], $0x0  }
0x19: {  	s7 =	sld [smem:$0x3FA0]  }
0x1a: {  	s8 =	sadd.s32 $0xFFFFE003, lr  }
0x1b: {  	s9 =	sadd.s32 $0xFFFFFEF7, lr;
	s5 =	simm.s32 $0xFFFFFFFF;
	p2 =	slt.u32 s8, $0xFFFFF086  }
0x1c: {  	p1 =	slt.u32 s9, $0xF7A;
	s5 =	simm.s32 @!p2 $0x0  }
0x1d: {  	s5 =	simm.s32 @p1 $0x1;
	p0 =	seq.s32 s7, s2  }
0x1e: {  	s7 =	smul.u32 @!p0 $0xF7A, s2;
	p2 =	seq.s32 @!p0 s5, $0x0  }
0x1f: {  	s9 =	smul.u32 $0xF7A, s1;
	s8 =	simm.s32 @!p0 $0x1BF5;
	p2 =	por !p2, p0  }
0x20: {  	[sflag:s8] =	ssyncset.s32 @!p0 $0xFFFFF086;
	s6 =	sadd.s32 @!p0 s3, s7;
	s7 =	simm.s32 @!p0 $0x108  }
0x21: {  	s3 =	sadd.s32 s3, s9;
	s6 =	sadd.s32 @!p0 $0x88, s6;
	s7 =	simm.s32 @p2 $0x1082  }
0x22: {  	[simem:s7], [sflag:s8] =	dma.local @!p0 [hbm:s6], $0xF7A  }
0x23: {  	s9 =	sor.u32 $0xD0000000, s2;
	s6 =	simm.s32 $0x108;
	_ =	swait.ge @!p0 [sflag:s8], $0x0  }
0x24: {  	s3 =	sadd.s32 $0x88, s3;
	s6 =	simm.s32 @!p1 $0x1082;
	[sflag:s4] =	ssyncset.s32 $0xFFFFF086  }
0x25: {  	[simem:s6], [sflag:s4] =	dma.local [hbm:s3], $0xF7A  }
0x26: {  	[smem:$0x3FA0] =	sst s1;
	(tag) =	ssettag s2;
	_ =	strace s9  }
0x27: {  	s1 =	sld [smem:$0x3FB0]  }
0x28: {  	s2 =	sld [smem:$0x3FB1]  }
0x29: {  	s4 =	sld [smem:$0x3FB3]  }
0x2a: {  	p0 =	seq.s32 s5, $0x0;
	s5 =	sld [smem:$0x3FB4]  }
0x2b: {  	s6 =	sld [smem:$0x3FB5]  }
0x2c: {  	s7 =	sld [smem:$0x3FB6]  }
0x2d: {  	s3 =	simm.s32 $0x108;
	s8 =	sld [smem:$0x3FB7]  }
0x2e: {  	s3 =	simm.s32 @!p0 $0x1082;
	s9 =	sld [smem:$0x3FB8]  }
0x2f: {  	lr =	sadd.s32 s0, s3;
	s0 =	sld [smem:$0x3FAF]  }
0x30: {  	s3 =	sld [smem:$0x3FB2]  }
0x31: {  	[smem:$0x3FBB] =	sst s10  }
0x32: {  	s10 =	sld [smem:$0x3FB9];
	_ =	sdelay $0x3  }
0x33: {  	p0 =	seq.s32 s10, $0x1;
	s10 =	sld [smem:$0x3FBB];
	_ =	sdelay $0x3  }
0x34: {  	[smem:$0x3FBB] =	sst s10  }
0x35: {  	s10 =	sld [smem:$0x3FBA];
	_ =	sdelay $0x3  }
0x36: {  	p1 =	seq.s32 s10, $0x1;
	s10 =	sld [smem:$0x3FBB];
	_ =	sdelay $0x3  }
0x37: {  	[smem:$0x3FBB] =	sst s10  }
0x38: {  	s10 =	sld [smem:$0x3FBC]  }
0x39: {  	_ = 	snop;
	(pc) =	sbr.ind lr, $3  }
0x3a: {  	_ = 	snop  }
0x3b: {  	_ = 	snop  }
0x3c: {  	p2 =	seq.s32 s10, $0x1;
	s10 =	sld [smem:$0x3FBB]  }
0x3d: {  	_ =	shalt  }
0x3e: {  	_ =	shalt  }
0x3f: {  	_ =	shalt  }
0x40: {  	_ =	shalt  }
0x41: {  	_ =	shalt  }
0x42: {  	_ =	shalt  }
0x43: {  	_ =	shalt  }
0x44: {  	_ =	shalt  }
0x45: {  	_ =	shalt  }
0x46: {  	_ =	shalt  }
0x47: {  	_ =	shalt  }
0x48: {  	_ =	shalt  }
0x49: {  	_ =	shalt  }
0x4a: {  	_ =	shalt  }
0x4b: {  	_ =	shalt  }
0x4c: {  	_ =	shalt  }
0x4d: {  	_ =	shalt  }
0x4e: {  	_ =	shalt  }
0x4f: {  	_ =	shalt  }
0x50: {  	_ =	shalt  }
0x51: {  	_ =	shalt  }
0x52: {  	_ =	shalt  }
0x53: {  	_ =	shalt  }
0x54: {  	_ =	shalt  }
0x55: {  	_ =	shalt  }
0x56: {  	_ =	shalt  }
0x57: {  	_ =	shalt  }
0x58: {  	_ =	shalt  }
0x59: {  	_ =	shalt  }
0x5a: {  	_ =	shalt  }
0x5b: {  	_ =	shalt  }
0x5c: {  	_ =	shalt  }
0x5d: {  	_ =	shalt  }
0x5e: {  	_ =	shalt  }
0x5f: {  	_ =	shalt  }
0x60: {  	_ =	shalt  }
0x61: {  	_ =	shalt  }
0x62: {  	_ =	shalt  }
0x63: {  	_ =	shalt  }
0x64: {  	_ =	shalt  }
0x65: {  	_ =	shalt  }
0x66: {  	_ =	shalt  }
0x67: {  	_ =	shalt  }
0x68: {  	_ =	shalt  }
0x69: {  	_ =	shalt  }
0x6a: {  	_ =	shalt  }
0x6b: {  	_ =	shalt  }
0x6c: {  	_ =	shalt  }
0x6d: {  	_ =	shalt  }
0x6e: {  	_ =	shalt  }
0x6f: {  	_ =	shalt  }
0x70: {  	_ =	shalt  }
0x71: {  	_ =	shalt  }
0x72: {  	_ =	shalt  }
0x73: {  	_ =	shalt  }
0x74: {  	_ =	shalt  }
0x75: {  	_ =	shalt  }
0x76: {  	_ =	shalt  }
0x77: {  	_ =	shalt  }
0x78: {  	_ =	shalt  }
0x79: {  	_ =	shalt  }
0x7a: {  	_ =	shalt  }
0x7b: {  	_ =	shalt  }
0x7c: {  	_ =	shalt  }
0x7d: {  	_ =	shalt  }
0x7e: {  	_ =	shalt  }
0x7f: {  	_ =	shalt  }
0x80: {  	_ =	shalt  }
0x81: {  	_ =	shalt  }
0x82: {  	_ =	shalt  }
0x83: {  	_ =	shalt  }
0x84: {  	_ =	shalt  }
0x85: {  	_ =	shalt  }
0x86: {  	_ =	shalt  }
0x87: {  	_ =	shalt  }
.Lfunc_end0:
.L_simem_size_0:
called_computation_lowered:
.L_overlay_start_0:
0x88: {  	s2 =	sld [smem:$0x3FD9]  }
0x89: {  	s3 =	sld [smem:$0x3FFE];
	_ =	sdelay $0x1  }
0x8a: {  	s1 =	srdreg.scid  }
0x8b: {  	s0 =	sand.u32 $0x1, s1  }
0x8c: {  	s17 =	sshll.u32 s0, $0xA;
	s2 =	sadd.s32 s3, s2  }
0x8d: {  	s2 =	sadd.s32 s2, s17  }
0x8e: {  	[smem:$0x3FC7] =	sst s2  }
0x8f: {  	_ = 	snop  }
0x90: {  	s2 =	sld [smem:$0x3FC9];
	(tm) =	ssettm $0x1  }
0x91: {  	s18 =	sld [smem:$0x3FFB];
	_ =	sdelay $0x3  }
0x92: {  	_ =	strace s18  }
0x93: {  	s3 =	sld [smem:$0x3FFC];
	_ =	sdelay $0x3  }
0x94: {  	_ =	strace s3  }
0x95: {  	s3 =	sld [smem:$0x3FFD];
	_ =	sdelay $0x3  }
0x96: {  	_ =	strace s3  }
0x97: {  	_ =	strace $0x8FFFFFFF  }
0x98: {  	s19 =	sld [smem:$0x3FDB];
	_ =	sdelay $0x1  }
0x99: {  	s4 =	simm.s32 $_scs_section_size  }
0x9a: {  	s5 =	simm.s32 $_size__tile_overlayer_lowered;
	s6 =	simm.s32 $_tile_overlayer_lowered  }
0x9b: {  	s22 =	simm.s32 $0x1BFF;
	s21 =	sshll.u32 s6, $0x1;
	s3 =	sadd.s32 s4, s19  }
0x9c: {  	s7 =	simm.s32 $0x0;
	s20 =	sshll.u32 s5, $0x1;
	s5 =	sadd.s32 s21, s3  }
0x9d: {  	[timem:s7], [sflag:s22] =	dma.local [hbm:s5], s20  }
0x9e: {  	_ =	swait.ge [sflag:s22], s20  }
0x9f: {  	s4 =	ssub.s32 $0x0, s20;
	[sflag:s22] =	ssyncset.done $0x0  }
0xa0: {  	[sflag:s22] =	ssyncadd.s32 s4;
	_ =	sdelay $0x1  }
0xa1: {  	s23 =	simm.s32 $0x1B8B  }
0xa2: {  	_ =	swait.ge [sflag:s23], $0x1  }
0xa3: {  	[sflag:s23] =	ssyncset.done $0x0  }
0xa4: {  	s25 =	simm.s32 $0x1B8E;
	s24 =	sld [smem:$0x3FFE];
	[sflag:s23] =	ssyncadd.s32 $0xFFFFFFFF  }
0xa5: {  	s26 =	simm.s32 $execute0_lowered;
	[smem:$0x3FD2] =	sst s25  }
0xa6: {  	s5 =	sshll.u32 s26, $0x1;
	_ =	strace $0x80000046;
	[dreg:$0x1] =	wrdreg $0xFFFFFFFF  }
0xa7: {  	s28 =	simm.s32 $_size_execute0_lowered;
	s3 =	sadd.s32 s3, s5;
	[dreg:$0x0] =	wrdreg $0x0  }
0xa8: {  	s5 =	sshll.u32 s28, $0x1;
	[dreg:$0x2] =	wrdreg s3  }
0xa9: {  	[dreg:$0x3] =	wrdreg s5  }
0xaa: {  	[dreg:$0x4] =	wrdreg $0xC0  }
0xab: {  	_ =	task [dreg:s7], $0x5FFFF  }
0xac: {  	[dreg:$0x1] =	wrdreg $0xFFFFFFFF  }
0xad: {  	[dreg:$0x0] =	wrdreg $0x60  }
0xae: {  	[dreg:$0x2] =	wrdreg s2  }
0xaf: {  	[dreg:$0x3] =	wrdreg s24  }
0xb0: {  	[dreg:$0x4] =	wrdreg $0x9  }
0xb1: {  	_ =	task.clear_ibuf [dreg:s7], $0x5FFFF;
	_ =	strace $0x90000046  }
0xb2: {  	s29 =	simm.s32 $0x9;
	_ =	strace $0x80000048  }
0xb3: {  	_ =	swait.ge [sflag:s29], $0x1  }
0xb4: {  	[sflag:s29] =	ssyncadd.s32 $0xFFFFFFFF  }
0xb5: {  	_ =	strace $0x90000048  }
0xb6: {  	_ =	sfence  }
0xb7: {  	s30 =	sld [smem:$0x0];
	_ =	sdelay $0x2  }
0xb8: {  	s31 =	sshll.u32 s1, $0xD;
	s1 =	sshrl.u32 s1, $0x2  }
0xb9: {  	s3 =	sand.u32 $0x4000, s31;
	s1 =	sadd.s32 s1, s30  }
0xba: {  	s0 =	sor.u32 s3, s0;
	s1 =	sshll.u32 s1, $0x11  }
0xbb: {  	s0 =	sor.u32 s1, s0  }
0xbc: {  	s0 =	sadd.s32 $0x8F2B, s0  }
0xbd: {  	[sflag:s0] =	ssyncadd.remote.s32 $0x1  }
0xbe: {  	_ =	sfence.sel $0xFFFF  }
0xbf: {  	[dreg:$0x0] =	wrdreg $0xFFFFFFFF;
	(pc) =	sbr.abs _section_cstart, $3  }
0xc0: {  	[dreg:$0x1] =	wrdreg $0xFFFFFFFF  }
0xc1: {  	_ =	task.clear_ibuf [dreg:s7], $0x2FFFF;
	_ =	strace $0x9FFFFFFF  }
0xc2: {  	(tm) =	ssettm $0x7FFFFFFF  }
0xc3: {  	_ =	shalt  }
tec
execute0_lowered:
.L_overlay_start_1:
0x0: {  	(tag) =	ssettag $0x1  }
0x1: {  	s1 =	srdreg.scid;
	s4 =	rddreg [dreg:$0x0]  }
0x2: {  	s0 =	stileid.u32;
	s5 =	rddreg [dreg:$0x1]  }
0x3: {  	s2 =	simm.s32 $0x0;
	s13 =	simm.s32 $0x10000;
	s14 =	simm.s32 $0x1  }
0x4: {  	s15 =	simm.s32 $0x10080;
	s16 =	simm.s32 $0x2;
	s17 =	simm.s32 $0x10100  }
0x5: {  	s18 =	simm.s32 $0x3;
	s3 =	sand.u32 $0x1, s1;
	s1 =	rddreg [dreg:$0x2]  }
0x6: {  	s19 =	simm.s32 $0x0;
	s6 =	sshll.u32 s0, $0x2;
	[smem:$0x7FF] =	sst s2  }
0x7: {  	s26 =	sshrl.u32 s0, $0x1;
	s10 =	sadd.s32 $0x200, s5;
	s7 =	sshll.u32 s3, $0x1  }
0x8: {  	_ =	strace $0x80000047;
	s3 =	ssub.s32 $0x2, s3;
	s6 =	sor.u32 s7, s6  }
0x9: {  	s9 =	sshll.u32 s26, $0x12;
	s11 =	sshrl.u32 s3, $0x1;
	s8 =	sshll.u32 s6, $0x7  }
0xa: {  	s7 =	sshll.u32 s26, $0xA;
	s6 =	sshll.u32 s6, $0x4;
	s8 =	sand.u32 $0x300, s8  }
0xb: {  	s11 =	ssub.s32 s3, s11;
	s6 =	sadd.s32 s6, s10;
	s28 =	sor.u32 s9, s8  }
0xc: {  	v0 =	vlaneseq.u32;
	vm0 =	vcmask $0x300;
	v16 =	vimm.s32 $0x0;
	s12 =	sor.u32 $0x80, s8;
	s8 =	sor.u32 s7, s8;
	s5 =	sshrl.u32 s28, $0x3  }
0xd: {  	v1 =	vor.u32 $0xF0, v0;
	v2 =	vor.u32 $0xE0, v0;
	v3 =	vor.u32 $0xD0, v0;
	s29 =	sor.u32 s9, s12;
	s8 =	sshrl.u32 s8, $0x3;
	s30 =	sor.u32 s7, s12  }
0xe: {  	v4 =	vor.u32 $0xC0, v0;
	v5 =	vor.u32 $0xB0, v0;
	v6 =	vor.u32 $0xA0, v0;
	s9 =	smax.u32 s11, $0x1;
	s11 =	simm.s32 $0x400;
	s12 =	simm.s32 $0x8000  }
0xf: {  	v7 =	vor.u32 $0x90, v0;
	v8 =	vor.u32 $0x80, v0;
	v9 =	vor.u32 $0x70, v0;
	s3 =	sadd.s32 s4, s5;
	s5 =	sshrl.u32 s29, $0x3;
	s7 =	sadd.s32 s10, s8  }
0x10: {  	v10 =	vor.u32 $0x60, v0;
	v11 =	vor.u32 $0x50, v0;
	v12 =	vor.u32 $0x40, v0;
	s31 =	sshrl.u32 s30, $0x3;
	s4 =	sadd.s32 s4, s5;
	s5 =	sadd.s32 $0x400, s6  }
0x11: {  	v13 =	vor.u32 $0x30, v0;
	v14 =	vor.u32 $0x20, v0;
	v15 =	vor.u32 $0x10, v0;
	s6 =	sadd.s32 $0x410, s6;
	s8 =	sadd.s32 s10, s31;
	s10 =	simm.s32 $0x80  }
.LBB2_1:
0x12: {  	[tilespmem:s2], [sflag:$0x1] =	stream.strided.gather [hbm4b:s3+s10], $0x8000, s11, s10, $0x38;
	[tilespmem:$0x10180] =	vst v63  }
0x13: {  	_ = 	snop  }
0x14: {  	[tilespmem:s12], [sflag:$0x2] =	stream.strided.gather [hbm4b:s4+s10], $0x8000, s11, s10, $0x38;
	[tilespmem:$0x10180] =	vst v63  }
0x15: {  	[tilespmem:$0x10000] =	vst v16  }
0x16: {  	[hbm4b:s5+s2] =	stream.linear.scatter [tilespmem:s13], [sflag:$0x3], $0x80, $0x38;
	[tilespmem:$0x10180] =	vst v63  }
0x17: {  	_ = 	snop  }
0x18: {  	[hbm4b:s6+s2] =	stream.linear.scatter [tilespmem:s13], [sflag:$0x3], $0x80, $0x38;
	[tilespmem:$0x10180] =	vst v63  }
0x19: {  	_ =	swait.ge [sflag:s14], $0x8000  }
0x1a: {  	[sflag:s14] =	ssyncset.done $0x0  }
0x1b: {  	s20 =	simm.s32 $0x100;
	[sflag:s14] =	ssyncadd.s32 $0xFFFF8000  }
0x1c: {  	v18 =	vld [tilespmem:s20+$0xF0]  }
0x1d: {  	v19 =	vld [tilespmem:s20+$0xE0]  }
0x1e: {  	v20 =	vld [tilespmem:s20+$0xD0]  }
0x1f: {  	v21 =	vld [tilespmem:s20+$0xC0]  }
0x20: {  	v23 =	vld [tilespmem:s20+$0xB0]  }
0x21: {  	v24 =	vld [tilespmem:s20+$0xA0]  }
0x22: {  	v25 =	vld [tilespmem:s20+$0x90]  }
0x23: {  	v26 =	vld [tilespmem:s20+$0x80]  }
0x24: {  	v33 =	vld [tilespmem:s20+$0x0]  }
0x25: {  	v27 =	vld [tilespmem:s20+$0xFFFFFF10]  }
0x26: {  	v28 =	vld [tilespmem:s20+$0xFFFFFF20]  }
0x27: {  	v29 =	vld [tilespmem:s20+$0xFFFFFF30]  }
0x28: {  	v30 =	vld [tilespmem:s20+$0xFFFFFF40]  }
0x29: {  	v31 =	vld [tilespmem:s20+$0xFFFFFF50]  }
0x2a: {  	v32 =	vld [tilespmem:s20+$0xFFFFFF60]  }
0x2b: {  	v34 =	vld [tilespmem:s20+$0xFFFFFF70]  }
0x2c: {  	v35 =	vld [tilespmem:s20+$0xFFFFFF80]  }
0x2d: {  	v36 =	vld [tilespmem:s20+$0xFFFFFF90]  }
0x2e: {  	v37 =	vld [tilespmem:s20+$0xFFFFFFA0]  }
0x2f: {  	v38 =	vld [tilespmem:s20+$0xFFFFFFB0]  }
0x30: {  	v39 =	vld [tilespmem:s20+$0xFFFFFFC0]  }
0x31: {  	v40 =	vld [tilespmem:s20+$0xFFFFFFD0]  }
0x32: {  	v43 =	vld [tilespmem:s20+$0xFFFFFF00]  }
0x33: {  	v41 =	vld [tilespmem:s20+$0xFFFFFFE0]  }
0x34: {  	v44 =	vld [tilespmem:s20+$0x10]  }
0x35: {  	v42 =	vld [tilespmem:s20+$0xFFFFFFF0];
	v19 =	vmax.f32 v19, v18  }
0x36: {  	v17 =	vld [tilespmem:s20+$0x60];
	v22 =	vmax.f32 v21, v20;
	v18 =	vmax.f32 v24, v23;
	v20 =	vmax.f32 v26, v25  }
0x37: {  	v26 =	vld [tilespmem:s20+$0x20];
	v24 =	vmax.f32 v35, v36;
	v25 =	vmax.f32 v37, v38;
	v63 =	vmax.f32 v43, v27  }
0x38: {  	v21 =	vmax.f32 v20, v18;
	v18 =	vmax.f32 v32, v34;
	v20 =	vmax.f32 v30, v31;
	v32 =	vld [tilespmem:s20+$0x50]  }
0x39: {  	v33 =	vmax.f32 v33, v44;
	v23 =	vmax.f32 v20, v18;
	v20 =	vmax.f32 v28, v29;
	v29 =	vld [tilespmem:s20+$0x30]  }
0x3a: {  	v30 =	vmax.f32 v39, v40;
	v31 =	vmax.f32 v41, v42;
	v18 =	vimm.f32 $-Inf;
	v28 =	vld [tilespmem:s20+$0x40]  }
0x3b: {  	s21 =	simm.s32 $0x2;
	s22 =	simm.s32 $0x300;
	v27 =	vmax.f32 v30, v31;
	v31 =	vld [tilespmem:s20+$0x70];
	s20 =	simm.s32 $0x0;
	v30 =	vmax.f32 v63, v20;
	v20 =	vimm.s32 $0x0  }
.LBB2_2:
0x3c: {  	v34 =	vld [tilespmem:s22+$0x60];
	p0 =	slt.u32 s21, $0x7E;
	s23 =	smov.u32 s21;
	s21 =	sadd.s32 $0x2, s21  }
0x3d: {  	v35 =	vld [tilespmem:s22+$0xF0]  }
0x3e: {  	v19 =	vmax.f32 v22, v19;
	v26 =	vmax.f32 v26, v29;
	v36 =	vld [tilespmem:s22+$0xE0]  }
0x3f: {  	v24 =	vmax.f32 v24, v25;
	v26 =	vmax.f32 v33, v26;
	v22 =	vld [tilespmem:s22+$0xD0];
	v25 =	vmax.f32 v28, v32  }
0x40: {  	v23 =	vmax.f32 v30, v23;
	v24 =	vmax.f32 v24, v27;
	v28 =	vld [tilespmem:s22+$0xC0];
	v29 =	vmax.f32 v17, v31  }
0x41: {  	v21 =	vmax.f32 v21, v19;
	v23 =	vmax.f32 v23, v24;
	v27 =	vld [tilespmem:s22+$0xB0];
	v24 =	vmax.f32 v25, v29;
	v17 =	vmovc v34  }
0x42: {  	vm1 =	vgt.f32 v23, v18;
	v18 =	vmax.f32 v18, v23;
	v25 =	vld [tilespmem:s22+$0xA0];
	v23 =	vmax.f32 v26, v24  }
0x43: {  	v20 =	vsel vm1, s20, v20;
	v24 =	vld [tilespmem:s22+$0x90];
	v19 =	vmax.f32 v36, v35;
	v21 =	vmax.f32 v23, v21  }
0x44: {  	s24 =	sadd.s32 $0x1, s20;
	s20 =	smov.u32 s23;
	v23 =	vld [tilespmem:s22+$0x80];
	vm1 =	vgt.f32 v21, v18;
	v18 =	vmax.f32 v18, v21  }
0x45: {  	v33 =	vld [tilespmem:s22+$0x0];
	v22 =	vmax.f32 v28, v22;
	v20 =	vsel vm1, s24, v20  }
0x46: {  	v30 =	vld [tilespmem:s22+$0xFFFFFF10]  }
0x47: {  	v26 =	vld [tilespmem:s22+$0xFFFFFF20];
	v21 =	vmax.f32 v25, v27  }
0x48: {  	v25 =	vld [tilespmem:s22+$0xFFFFFF30]  }
0x49: {  	v27 =	vld [tilespmem:s22+$0xFFFFFF40];
	v23 =	vmax.f32 v23, v24  }
0x4a: {  	v24 =	vld [tilespmem:s22+$0xFFFFFF50];
	v21 =	vmax.f32 v23, v21  }
0x4b: {  	v23 =	vld [tilespmem:s22+$0xFFFFFF60]  }
0x4c: {  	v28 =	vld [tilespmem:s22+$0xFFFFFF70]  }
0x4d: {  	v29 =	vld [tilespmem:s22+$0xFFFFFF80]  }
0x4e: {  	v31 =	vld [tilespmem:s22+$0xFFFFFF90]  }
0x4f: {  	v32 =	vld [tilespmem:s22+$0xFFFFFFA0]  }
0x50: {  	v34 =	vld [tilespmem:s22+$0xFFFFFFB0]  }
0x51: {  	v35 =	vld [tilespmem:s22+$0xFFFFFFC0];
	v23 =	vmax.f32 v23, v28  }
0x52: {  	v28 =	vld [tilespmem:s22+$0xFFFFFFD0]  }
0x53: {  	v27 =	vmax.f32 v27, v24;
	v36 =	vld [tilespmem:s22+$0xFFFFFFE0];
	v24 =	vmax.f32 v29, v31  }
0x54: {  	v23 =	vmax.f32 v27, v23;
	v31 =	vld [tilespmem:s22+$0xFFFFFFF0]  }
0x55: {  	v37 =	vmax.f32 v26, v25;
	v27 =	vld [tilespmem:s22+$0xFFFFFF00];
	v25 =	vmax.f32 v32, v34  }
0x56: {  	v34 =	vld [tilespmem:s22+$0x10]  }
.Ltmp0:
0x57: {  	v32 =	vmax.f32 v35, v28;
	v26 =	vld [tilespmem:s22+$0x20];
	(pc) =	sbr.rel @p0 .LBB2_2-.Ltmp0, $4  }
0x58: {  	v29 =	vld [tilespmem:s22+$0x30]  }
0x59: {  	v31 =	vmax.f32 v36, v31;
	v28 =	vld [tilespmem:s22+$0x40]  }
0x5a: {  	v30 =	vmax.f32 v27, v30;
	v27 =	vmax.f32 v32, v31;
	v32 =	vld [tilespmem:s22+$0x50]  }
0x5b: {  	v30 =	vmax.f32 v30, v37;
	v31 =	vld [tilespmem:s22+$0x70];
	v33 =	vmax.f32 v33, v34;
	s22 =	sadd.s32 $0x200, s22  }
0x5c: {  	_ =	sdelay $0x2  }
0x5d: {  	v19 =	vmax.f32 v22, v19;
	v22 =	vmax.f32 v24, v25;
	v23 =	vmax.f32 v30, v23  }
0x5e: {  	v26 =	vmax.f32 v26, v29;
	v24 =	vmax.f32 v28, v32;
	v17 =	vmax.f32 v17, v31  }
0x5f: {  	v22 =	vmax.f32 v22, v27;
	v25 =	vmax.f32 v33, v26;
	v17 =	vmax.f32 v24, v17  }
0x60: {  	v19 =	vmax.f32 v21, v19;
	v22 =	vmax.f32 v23, v22;
	v17 =	vmax.f32 v25, v17  }
0x61: {  	vm1 =	vgt.f32 v22, v18;
	v18 =	vmax.f32 v18, v22;
	v17 =	vmax.f32 v17, v19  }
0x62: {  	s31 =	sadd.s32 $0x1, s20;
	v19 =	vsel vm1, s20, v20;
	vm1 =	vgt.f32 v17, v18  }
0x63: {  	v19 =	vsel vm1, s31, v19  }
0x64: {  	v19 =	vshll.u32 v19, $0x8  }
0x65: {  	v20 =	vor.u32 v1, v19  }
0x66: {  	v21 =	vor.u32 v2, v19  }
0x67: {  	v22 =	vor.u32 v3, v19  }
0x68: {  	v23 =	vor.u32 v4, v19  }
0x69: {  	s20 =	simm.s32 $0x0;
	v24 =	vor.u32 v5, v19  }
0x6a: {  	v25 =	vor.u32 v6, v19;
	v20 =	vld.idx.msk [tilespmem:v20+s20+$0x0], $0xffff  }
0x6b: {  	v26 =	vor.u32 v7, v19;
	v21 =	vld.idx.msk [tilespmem:v21+s20+$0x0], $0xffff  }
0x6c: {  	v27 =	vor.u32 v8, v19;
	v22 =	vld.idx.msk [tilespmem:v22+s20+$0x0], $0xffff  }
0x6d: {  	v28 =	vor.u32 v9, v19;
	v23 =	vld.idx.msk [tilespmem:v23+s20+$0x0], $0xffff  }
0x6e: {  	v18 =	vmax.f32 v18, v17;
	v29 =	vor.u32 v10, v19;
	v24 =	vld.idx.msk [tilespmem:v24+s20+$0x0], $0xffff  }
0x6f: {  	v17 =	vimm.s32 $0x0;
	vm1 =	veq.f32 v20, v18;
	v20 =	vld.idx.msk [tilespmem:v25+s20+$0x0], $0xffff;
	v25 =	vor.u32 v11, v19  }
0x70: {  	v30 =	vsel vm1, $0xF0, v17;
	vm1 =	veq.f32 v21, v18;
	v21 =	vld.idx.msk [tilespmem:v26+s20+$0x0], $0xffff;
	v26 =	vor.u32 v12, v19  }
0x71: {  	v30 =	vsel vm1, $0xE0, v30;
	vm1 =	veq.f32 v22, v18;
	v22 =	vld.idx.msk [tilespmem:v27+s20+$0x0], $0xffff;
	v27 =	vor.u32 v13, v19  }
0x72: {  	v30 =	vsel vm1, $0xD0, v30;
	vm1 =	veq.f32 v23, v18;
	v23 =	vld.idx.msk [tilespmem:v28+s20+$0x0], $0xffff;
	v28 =	vor.u32 v14, v19  }
0x73: {  	v30 =	vsel vm1, $0xC0, v30;
	vm1 =	veq.f32 v24, v18;
	v24 =	vld.idx.msk [tilespmem:v29+s20+$0x0], $0xffff;
	v29 =	vor.u32 v15, v19  }
0x74: {  	v19 =	vor.u32 v0, v19;
	v30 =	vsel vm1, $0xB0, v30;
	vm1 =	veq.f32 v20, v18;
	v20 =	vld.idx.msk [tilespmem:v25+s20+$0x0], $0xffff  }
0x75: {  	v25 =	vsel vm1, $0xA0, v30;
	vm1 =	veq.f32 v21, v18;
	v21 =	vld.idx.msk [tilespmem:v26+s20+$0x0], $0xffff  }
0x76: {  	v25 =	vsel vm1, $0x90, v25;
	vm1 =	veq.f32 v22, v18;
	v22 =	vld.idx.msk [tilespmem:v27+s20+$0x0], $0xffff  }
0x77: {  	v25 =	vsel vm1, $0x80, v25;
	vm1 =	veq.f32 v23, v18;
	v23 =	vld.idx.msk [tilespmem:v28+s20+$0x0], $0xffff  }
0x78: {  	(xrf0) =	vmax.scan.msk.f32 $0xffff, v18;
	v25 =	vsel vm1, $0x70, v25;
	vm1 =	veq.f32 v24, v18;
	v24 =	vld.idx.msk [tilespmem:v29+s20+$0x0], $0xffff  }
0x79: {  	v25 =	vsel vm1, $0x60, v25;
	vm1 =	veq.f32 v20, v18;
	v20 =	vld.idx.msk [tilespmem:v19+s20+$0x0], $0xffff  }
0x7a: {  	v25 =	vsel vm1, $0x50, v25;
	vm1 =	veq.f32 v21, v18  }
0x7b: {  	v21 =	vsel vm1, $0x40, v25;
	vm1 =	veq.f32 v22, v18  }
0x7c: {  	v21 =	vsel vm1, $0x30, v21;
	vm1 =	veq.f32 v23, v18  }
0x7d: {  	v21 =	vsel vm1, $0x20, v21;
	vm1 =	veq.f32 v24, v18  }
0x7e: {  	v21 =	vsel vm1, $0x10, v21;
	vm1 =	veq.f32 v20, v18;
	v20, _, _ =	vpop (xrf0)  }
0x7f: {  	v21 =	vsel vm1, $0x0, v21;
	v20 =	vbroadcast v20, $0xF  }
0x80: {  	v19 =	vadd.s32 v19, v21  }
0x81: {  	vm1 =	veq.f32 v18, v20;
	v18 =	vxor.u32 $0x80000000, v19  }
0x82: {  	v18 =	vnsel vm1, $0xC0000000, v18  }
0x83: {  	(xrf0) =	vmin.scan.msk.u32 $0xffff, v18;
	_ =	sdelay $0x5  }
0x84: {  	v18, _, _ =	vpop (xrf0)  }
0x85: {  	(v2sf) =	vpush v18, $0xF;
	_ =	sdelay $0xe  }
0x86: {  	s21 =	spop (v2sf)  }
0x87: {  	s21 =	sxor.u32 $0x80000000, s21  }
0x88: {  	v18 =	vmov s21  }
0x89: {  	v18 =	vnsel vm0, $0x0, v18  }
0x8a: {  	[tilespmem:$0x10080] =	vst v18  }
0x8b: {  	[hbm4b:s7+s20] =	stream.linear.scatter [tilespmem:s15], [sflag:$0x3], $0x80, $0x38;
	[tilespmem:$0x10180] =	vst v63  }
0x8c: {  	_ =	swait.ge [sflag:s16], $0x8000  }
0x8d: {  	[sflag:s16] =	ssyncset.done $0x0  }
0x8e: {  	s22 =	simm.s32 $0x8100;
	[sflag:s16] =	ssyncadd.s32 $0xFFFF8000  }
0x8f: {  	v19 =	vld [tilespmem:s22+$0xF0]  }
0x90: {  	v20 =	vld [tilespmem:s22+$0xE0]  }
0x91: {  	v21 =	vld [tilespmem:s22+$0xD0]  }
0x92: {  	v22 =	vld [tilespmem:s22+$0xC0]  }
0x93: {  	v23 =	vld [tilespmem:s22+$0xB0]  }
0x94: {  	v24 =	vld [tilespmem:s22+$0xA0]  }
0x95: {  	v25 =	vld [tilespmem:s22+$0x90]  }
0x96: {  	v26 =	vld [tilespmem:s22+$0x80]  }
0x97: {  	v60 =	vld [tilespmem:s22+$0x0]  }
0x98: {  	v28 =	vld [tilespmem:s22+$0xFFFFFF10]  }
0x99: {  	v27 =	vld [tilespmem:s22+$0xFFFFFF20]  }
0x9a: {  	v30 =	vld [tilespmem:s22+$0xFFFFFF30]  }
0x9b: {  	v29 =	vld [tilespmem:s22+$0xFFFFFF40]  }
0x9c: {  	v31 =	vld [tilespmem:s22+$0xFFFFFF50]  }
0x9d: {  	v61 =	vld [tilespmem:s22+$0xFFFFFF60]  }
0x9e: {  	v34 =	vld [tilespmem:s22+$0xFFFFFF70]  }
0x9f: {  	v35 =	vld [tilespmem:s22+$0xFFFFFF80]  }
0xa0: {  	v36 =	vld [tilespmem:s22+$0xFFFFFF90]  }
0xa1: {  	v37 =	vld [tilespmem:s22+$0xFFFFFFA0]  }
0xa2: {  	v39 =	vld [tilespmem:s22+$0xFFFFFFC0]  }
0xa3: {  	v40 =	vld [tilespmem:s22+$0xFFFFFFD0]  }
0xa4: {  	v41 =	vld [tilespmem:s22+$0xFFFFFFE0]  }
0xa5: {  	v42 =	vld [tilespmem:s22+$0xFFFFFFF0]  }
0xa6: {  	v43 =	vld [tilespmem:s22+$0xFFFFFF00]  }
0xa7: {  	v44 =	vld [tilespmem:s22+$0x10]  }
0xa8: {  	v38 =	vld [tilespmem:s22+$0xFFFFFFB0]  }
0xa9: {  	v18 =	vld [tilespmem:s22+$0x60];
	v20 =	vmax.f32 v20, v19;
	v22 =	vmax.f32 v22, v21;
	v19 =	vmax.f32 v24, v23  }
0xaa: {  	v32 =	vld [tilespmem:s22+$0x50];
	v21 =	vmax.f32 v26, v25;
	v23 =	vmax.f32 v61, v34;
	v25 =	vmax.f32 v29, v31  }
0xab: {  	v26 =	vld [tilespmem:s22+$0x20];
	v24 =	vmax.f32 v35, v36;
	v30 =	vmax.f32 v27, v30;
	v31 =	vmax.f32 v39, v40  }
0xac: {  	v29 =	vld [tilespmem:s22+$0x30];
	v62 =	vmax.f32 v41, v42;
	v63 =	vmax.f32 v43, v28;
	v33 =	vmax.f32 v60, v44  }
0xad: {  	v27 =	vld [tilespmem:s22+$0x40];
	v21 =	vmax.f32 v21, v19;
	v23 =	vmax.f32 v25, v23;
	v25 =	vmax.f32 v37, v38  }
0xae: {  	s21 =	simm.s32 $0x2;
	v19 =	vimm.f32 $-Inf;
	v28 =	vmax.f32 v31, v62;
	v30 =	vmax.f32 v63, v30;
	v31 =	vld [tilespmem:s22+$0x70];
	s22 =	simm.s32 $0x8300  }
.LBB2_4:
0xaf: {  	v34 =	vld [tilespmem:s22+$0x60];
	p0 =	slt.u32 s21, $0x7E;
	s23 =	smov.u32 s21;
	s21 =	sadd.s32 $0x2, s21  }
0xb0: {  	v35 =	vld [tilespmem:s22+$0xF0]  }
0xb1: {  	v20 =	vmax.f32 v22, v20;
	v26 =	vmax.f32 v26, v29;
	v36 =	vld [tilespmem:s22+$0xE0]  }
0xb2: {  	v24 =	vmax.f32 v24, v25;
	v26 =	vmax.f32 v33, v26;
	v22 =	vld [tilespmem:s22+$0xD0];
	v25 =	vmax.f32 v27, v32  }
0xb3: {  	v23 =	vmax.f32 v30, v23;
	v24 =	vmax.f32 v24, v28;
	v27 =	vld [tilespmem:s22+$0xC0];
	v29 =	vmax.f32 v18, v31  }
0xb4: {  	v21 =	vmax.f32 v21, v20;
	v23 =	vmax.f32 v23, v24;
	v28 =	vld [tilespmem:s22+$0xB0];
	v24 =	vmax.f32 v25, v29;
	v18 =	vmovc v34  }
0xb5: {  	vm1 =	vgt.f32 v23, v19;
	v19 =	vmax.f32 v19, v23;
	v25 =	vld [tilespmem:s22+$0xA0];
	v23 =	vmax.f32 v26, v24  }
0xb6: {  	v17 =	vsel vm1, s20, v17;
	v24 =	vld [tilespmem:s22+$0x90];
	v20 =	vmax.f32 v36, v35;
	v21 =	vmax.f32 v23, v21  }
0xb7: {  	s24 =	sadd.s32 $0x1, s20;
	s20 =	smov.u32 s23;
	v23 =	vld [tilespmem:s22+$0x80];
	vm1 =	vgt.f32 v21, v19;
	v19 =	vmax.f32 v19, v21  }
0xb8: {  	v33 =	vld [tilespmem:s22+$0x0];
	v22 =	vmax.f32 v27, v22;
	v17 =	vsel vm1, s24, v17  }
0xb9: {  	v30 =	vld [tilespmem:s22+$0xFFFFFF10]  }
0xba: {  	v26 =	vld [tilespmem:s22+$0xFFFFFF20];
	v21 =	vmax.f32 v25, v28  }
0xbb: {  	v25 =	vld [tilespmem:s22+$0xFFFFFF30]  }
0xbc: {  	v27 =	vld [tilespmem:s22+$0xFFFFFF40];
	v23 =	vmax.f32 v23, v24  }
0xbd: {  	v24 =	vld [tilespmem:s22+$0xFFFFFF50];
	v21 =	vmax.f32 v23, v21  }
0xbe: {  	v23 =	vld [tilespmem:s22+$0xFFFFFF60]  }
0xbf: {  	v28 =	vld [tilespmem:s22+$0xFFFFFF70]  }
0xc0: {  	v29 =	vld [tilespmem:s22+$0xFFFFFF80]  }
0xc1: {  	v31 =	vld [tilespmem:s22+$0xFFFFFF90]  }
0xc2: {  	v32 =	vld [tilespmem:s22+$0xFFFFFFA0]  }
0xc3: {  	v34 =	vld [tilespmem:s22+$0xFFFFFFB0]  }
0xc4: {  	v35 =	vld [tilespmem:s22+$0xFFFFFFC0];
	v23 =	vmax.f32 v23, v28  }
0xc5: {  	v28 =	vld [tilespmem:s22+$0xFFFFFFD0]  }
0xc6: {  	v27 =	vmax.f32 v27, v24;
	v36 =	vld [tilespmem:s22+$0xFFFFFFE0];
	v24 =	vmax.f32 v29, v31  }
0xc7: {  	v23 =	vmax.f32 v27, v23;
	v31 =	vld [tilespmem:s22+$0xFFFFFFF0]  }
0xc8: {  	v38 =	vmax.f32 v26, v25;
	v37 =	vld [tilespmem:s22+$0xFFFFFF00];
	v25 =	vmax.f32 v32, v34  }
0xc9: {  	v34 =	vld [tilespmem:s22+$0x10]  }
.Ltmp1:
0xca: {  	v28 =	vmax.f32 v35, v28;
	v26 =	vld [tilespmem:s22+$0x20];
	(pc) =	sbr.rel @p0 .LBB2_4-.Ltmp1, $4  }
0xcb: {  	v29 =	vld [tilespmem:s22+$0x30]  }
0xcc: {  	v31 =	vmax.f32 v36, v31;
	v27 =	vld [tilespmem:s22+$0x40]  }
0xcd: {  	v30 =	vmax.f32 v37, v30;
	v28 =	vmax.f32 v28, v31;
	v32 =	vld [tilespmem:s22+$0x50]  }
0xce: {  	v30 =	vmax.f32 v30, v38;
	v31 =	vld [tilespmem:s22+$0x70];
	v33 =	vmax.f32 v33, v34;
	s22 =	sadd.s32 $0x200, s22  }
0xcf: {  	_ =	sdelay $0x2  }
0xd0: {  	v20 =	vmax.f32 v22, v20;
	v23 =	vmax.f32 v30, v23;
	v26 =	vmax.f32 v26, v29  }
0xd1: {  	v29 =	vmax.f32 v24, v25;
	v34 =	vmax.f32 v27, v32;
	v18 =	vmax.f32 v18, v31  }
0xd2: {  	v35 =	vmax.f32 v33, v26;
	v22 =	vmax.f32 v29, v28;
	v18 =	vmax.f32 v34, v18  }
0xd3: {  	v20 =	vmax.f32 v21, v20;
	v22 =	vmax.f32 v23, v22;
	v18 =	vmax.f32 v35, v18  }
0xd4: {  	vm1 =	vgt.f32 v22, v19;
	v19 =	vmax.f32 v19, v22;
	v18 =	vmax.f32 v18, v20  }
0xd5: {  	s30 =	sadd.s32 $0x1, s20;
	v17 =	vsel vm1, s20, v17;
	vm1 =	vgt.f32 v18, v19  }
0xd6: {  	v17 =	vsel vm1, s30, v17  }
0xd7: {  	v17 =	vshll.u32 v17, $0x8  }
0xd8: {  	v36 =	vor.u32 v1, v17  }
0xd9: {  	v37 =	vor.u32 v2, v17  }
0xda: {  	v38 =	vor.u32 v3, v17  }
0xdb: {  	v39 =	vor.u32 v4, v17  }
0xdc: {  	v40 =	vor.u32 v5, v17  }
0xdd: {  	v41 =	vor.u32 v6, v17;
	v20 =	vld.idx.msk [tilespmem:v36+s12+$0x0], $0xffff  }
0xde: {  	v42 =	vor.u32 v7, v17;
	v21 =	vld.idx.msk [tilespmem:v37+s12+$0x0], $0xffff  }
0xdf: {  	v43 =	vor.u32 v8, v17;
	v22 =	vld.idx.msk [tilespmem:v38+s12+$0x0], $0xffff  }
0xe0: {  	v44 =	vor.u32 v9, v17;
	v23 =	vld.idx.msk [tilespmem:v39+s12+$0x0], $0xffff  }
0xe1: {  	v18 =	vmax.f32 v19, v18;
	v45 =	vor.u32 v10, v17;
	v19 =	vld.idx.msk [tilespmem:v40+s12+$0x0], $0xffff  }
0xe2: {  	v47 =	vor.u32 v11, v17;
	v46 =	vld.idx.msk [tilespmem:v41+s12+$0x0], $0xffff;
	vm1 =	veq.f32 v20, v18  }
0xe3: {  	v50 =	vor.u32 v12, v17;
	v49 =	vld.idx.msk [tilespmem:v42+s12+$0x0], $0xffff;
	v48 =	vsel vm1, $0xF0, v16;
	vm1 =	veq.f32 v21, v18  }
0xe4: {  	v52 =	vor.u32 v13, v17;
	v51 =	vld.idx.msk [tilespmem:v43+s12+$0x0], $0xffff;
	v29 =	vsel vm1, $0xE0, v48;
	vm1 =	veq.f32 v22, v18  }
0xe5: {  	v54 =	vor.u32 v14, v17;
	v53 =	vld.idx.msk [tilespmem:v44+s12+$0x0], $0xffff;
	v29 =	vsel vm1, $0xD0, v29;
	vm1 =	veq.f32 v23, v18  }
0xe6: {  	v55 =	vor.u32 v15, v17;
	v29 =	vsel vm1, $0xC0, v29;
	vm1 =	veq.f32 v19, v18;
	v19 =	vld.idx.msk [tilespmem:v45+s12+$0x0], $0xffff  }
0xe7: {  	v17 =	vor.u32 v0, v17;
	v56 =	vld.idx.msk [tilespmem:v47+s12+$0x0], $0xffff;
	v29 =	vsel vm1, $0xB0, v29;
	vm1 =	veq.f32 v46, v18  }
0xe8: {  	v58 =	vld.idx.msk [tilespmem:v50+s12+$0x0], $0xffff;
	v57 =	vsel vm1, $0xA0, v29;
	vm1 =	veq.f32 v49, v18  }
0xe9: {  	v59 =	vld.idx.msk [tilespmem:v52+s12+$0x0], $0xffff;
	v25 =	vsel vm1, $0x90, v57;
	vm1 =	veq.f32 v51, v18  }
0xea: {  	v60 =	vld.idx.msk [tilespmem:v54+s12+$0x0], $0xffff;
	v25 =	vsel vm1, $0x80, v25;
	vm1 =	veq.f32 v53, v18  }
0xeb: {  	(xrf0) =	vmax.scan.msk.f32 $0xffff, v18;
	v25 =	vsel vm1, $0x70, v25;
	vm1 =	veq.f32 v19, v18;
	v19 =	vld.idx.msk [tilespmem:v55+s12+$0x0], $0xffff  }
0xec: {  	v62 =	vld.idx.msk [tilespmem:v17+s12+$0x0], $0xffff;
	v61 =	vsel vm1, $0x60, v25;
	vm1 =	veq.f32 v56, v18  }
0xed: {  	v24 =	vsel vm1, $0x50, v61;
	vm1 =	veq.f32 v58, v18  }
0xee: {  	v21 =	vsel vm1, $0x40, v24;
	vm1 =	veq.f32 v59, v18  }
0xef: {  	v21 =	vsel vm1, $0x30, v21;
	vm1 =	veq.f32 v60, v18  }
0xf0: {  	v21 =	vsel vm1, $0x20, v21;
	vm1 =	veq.f32 v19, v18  }
0xf1: {  	v63, _, _ =	vpop (xrf0);
	v19 =	vsel vm1, $0x10, v21;
	vm1 =	veq.f32 v62, v18  }
0xf2: {  	v20 =	vbroadcast v63, $0xF;
	v19 =	vsel vm1, $0x0, v19  }
0xf3: {  	v17 =	vadd.s32 v17, v19  }
0xf4: {  	vm1 =	veq.f32 v18, v20;
	v17 =	vxor.u32 $0x80000000, v17  }
0xf5: {  	v17 =	vnsel vm1, $0xC0000000, v17  }
0xf6: {  	(xrf0) =	vmin.scan.msk.u32 $0xffff, v17;
	_ =	sdelay $0x5  }
0xf7: {  	v17, _, _ =	vpop (xrf0)  }
0xf8: {  	(v2sf) =	vpush v17, $0xF;
	_ =	sdelay $0xe  }
0xf9: {  	s31 =	spop (v2sf)  }
0xfa: {  	s20 =	sxor.u32 $0x80000000, s31  }
0xfb: {  	v17 =	vmov s20  }
0xfc: {  	v17 =	vnsel vm0, $0x0, v17  }
0xfd: {  	[tilespmem:$0x10100] =	vst v17  }
0xfe: {  	[hbm4b:s8+s2] =	stream.linear.scatter [tilespmem:s17], [sflag:$0x3], $0x80, $0x38;
	[tilespmem:$0x10180] =	vst v63  }
0xff: {  	_ =	swait.ge [sflag:s18], $0x80  }
0x100: {  	[sflag:s18] =	ssyncset.done $0x0  }
0x101: {  	[sflag:s18] =	ssyncadd.s32 $0xFFFFFF80  }
0x102: {  	_ =	swait.ge [sflag:s18], $0x80  }
0x103: {  	[sflag:s18] =	ssyncset.done $0x0  }
0x104: {  	s19 =	sadd.s32 $0x1, s19;
	[sflag:s18] =	ssyncadd.s32 $0xFFFFFF80  }
0x105: {  	p0 =	sne.s32 s19, s9;
	_ =	swait.ge [sflag:s18], $0x80  }
.Ltmp2:
0x106: {  	[sflag:s18] =	ssyncset.done $0x0;
	(pc) =	sbr.rel @p0 .LBB2_1-.Ltmp2, $4  }
0x107: {  	[sflag:s18] =	ssyncadd.s32 $0xFFFFFF80  }
0x108: {  	_ =	swait.ge [sflag:s18], $0x80  }
0x109: {  	[sflag:s18] =	ssyncset.done $0x0  }
0x10a: {  	[sflag:s18] =	ssyncadd.s32 $0xFFFFFF80  }
0x10b: {  	_ =	sfence.sel $0x180000  }
0x10c: {  	[bflag:$0x0] =	sbarrier.arrive $0xFFFF  }
0x10d: {  	p0 =	sne.s32 s0, $0x0;
	_ =	strace $0x90000047  }
0x10e: {  	s0 =	sadd.s32 @!p0 $0x100000, s1;
	[bflag:$0x2] =	sbarrier.arrive $0xFFFF  }
0x10f: {  	[sflag:s0] =	ssyncadd.tile.s32 @!p0 $0x1;
	_ =	shalt  }
.Lfunc_end2:
_tile_overlayer_lowered:
.L_overlay_start_2:
0x110: {  	(tag) =	ssettag $0x2  }
0x111: {  	s0 =	rddreg [dreg:$0x0];
	s2 =	stileid.u32  }
0x112: {  	s1 =	rddreg [dreg:$0x1];
	p0 =	sne.s32 s2, $0x0  }
0x113: {  	s3 =	rddreg [dreg:$0x2];
	[bflag:$0x3] =	sbarrier.arrive $0xFFFF;
	s2 =	simm.s32 @!p0 $0x1C04  }
0x114: {  	[timem:s3], [sflag:s2] =	dma.local @!p0 [hbm:s0], s1  }
0x115: {  	s0 =	simm.s32 @!p0 $0x4  }
0x116: {  	_ =	swait.ge @!p0 [sflag:s0], s1  }
0x117: {  	s1 =	ssub.s32 @!p0 $0x0, s1;
	[sflag:s0] =	ssyncset.done @!p0 $0x0  }
0x118: {  	[sflag:s0] =	ssyncadd.s32 @!p0 s1  }
0x119: {  	[bflag:$0x3] =	sbarrier.arrive $0xFFFF  }
0x11a: {  	_ =	shalt  }

</sc_bundles>
